<compile_context>
chip_gen: v7x
topology: tpu7x:2x2x1
jax: 0.10.2.dev20260603
libtpu: 0.0.44.dev20260713+nightly
codegen_flags: <defaults>
</compile_context>

<pallas_src>
import functools

import jax
import jax.numpy as jnp
from jax import lax
from jax.experimental import pallas as pl
from jax.experimental.pallas import tpu as pltpu
from jax.experimental.pallas import tpu_sc as plsc

_F32 = jnp.float32
_BF16 = jnp.bfloat16


def _ln(x, g, b, eps=1e-5):
    m = jnp.mean(x, axis=-1, keepdims=True)
    v = jnp.mean((x - m) ** 2, axis=-1, keepdims=True)
    return (x - m) / jnp.sqrt(v + eps) * g + b


def _vq_search(z, cb_ref, e2_ref, it_ref, bt, num_codes, kt):
    hz2 = 0.5 * jnp.sum(z * z, axis=1, keepdims=True)
    cur_idx = None
    for t in range(num_codes // kt):
        cbt = cb_ref[:, pl.ds(t * kt, kt)]
        ze = lax.dot_general(z, cbt, (((1,), (0,)), ((), ())),
                             preferred_element_type=_F32)
        d = hz2 - ze + e2_ref[:, pl.ds(t * kt, kt)]
        m = jnp.min(d, axis=1, keepdims=True)
        am = jnp.min(jnp.where(d == m, it_ref[:, pl.ds(t * kt, kt)],
                               float(num_codes)),
                     axis=1, keepdims=True)
        if cur_idx is None:
            cur_min, cur_idx = m, am
        else:
            upd = m < cur_min
            cur_idx = jnp.where(upd, am, cur_idx)
            cur_min = jnp.where(upd, m, cur_min)
    return cur_idx.astype(jnp.int32)


def _enc_vq_body(bt, num_codes, kt,
                 x_ref, w1, b1, g1, be1, w2, b2, g2, be2, cb_ref,
                 z_ref, i_ref, e2_ref, it_ref):
    i = pl.program_id(0)

    @pl.when(i == 0)
    def _():
        cb = cb_ref[...]
        ones = jnp.ones((1, cb.shape[0]), dtype=_F32)
        e2_ref[...] = 0.5 * lax.dot_general(
            ones, cb * cb, (((1,), (0,)), ((), ())),
            preferred_element_type=_F32)
        it_ref[...] = lax.broadcasted_iota(
            jnp.int32, (1, num_codes), 1).astype(_F32)

    h = jax.nn.relu(_ln(jnp.dot(x_ref[...], w1[...],
                                preferred_element_type=_F32) + b1[...],
                        g1[...], be1[...]))
    z = _ln(jnp.dot(h, w2[...], preferred_element_type=_F32) + b2[...],
            g2[...], be2[...])
    z_ref[...] = z
    i_ref[...] = _vq_search(z, cb_ref, e2_ref, it_ref, bt, num_codes, kt)


def _dec_body(nsteps, inv_n,
              z_ref, qr_ref, dw1, db1, dw2, db2,
              qs_ref, r_ref, c_ref):
    i = pl.program_id(0)
    z = z_ref[...]
    qr = qr_ref[...]
    qs = z + (qr - z)
    qs_ref[...] = qs
    h = jax.nn.relu(jnp.dot(qs.astype(_BF16), dw1[...],
                            preferred_element_type=_F32) + db1[...])
    r_ref[...] = jnp.dot(h.astype(_BF16), dw2[...],
                         preferred_element_type=_F32) + db2[...]

    dz = z - qr
    p = jnp.sum(dz * dz).reshape(1, 1)

    @pl.when(i == 0)
    def _():
        c_ref[...] = jnp.zeros((1, 1), _F32)

    c_ref[...] += p

    @pl.when(i == nsteps - 1)
    def _():
        c_ref[...] = c_ref[...] * inv_n


def _make_sc_gather(cd, b):
    nc, ns = 2, 16
    nw = nc * ns
    bpw = b // nw
    ch = 128 if bpw % 128 == 0 else bpw
    nch = bpw // ch
    assert nch == 2, "pipelined gather below is written for 2 chunks/worker"
    mesh = plsc.VectorSubcoreMesh(core_axis_name="c", subcore_axis_name="s")

    @functools.partial(
        pl.kernel, mesh=mesh,
        out_type=jax.ShapeDtypeStruct((b, cd), _F32),
        scratch_types=[pltpu.VMEM((ch,), jnp.int32),
                       pltpu.VMEM((ch,), jnp.int32),
                       pltpu.VMEM((ch, cd), _F32),
                       pltpu.VMEM((ch, cd), _F32),
                       pltpu.SemaphoreType.DMA,
                       pltpu.SemaphoreType.DMA,
                       pltpu.SemaphoreType.DMA,
                       pltpu.SemaphoreType.DMA])
    def gather(cb_hbm, idx_hbm, q_hbm,
               i0, i1, r0, r1, sg0, sg1, ss0, ss1):
        wid = lax.axis_index("s") * nc + lax.axis_index("c")
        base = wid * bpw
        pltpu.sync_copy(idx_hbm.at[pl.ds(base, ch)], i0)
        pltpu.sync_copy(idx_hbm.at[pl.ds(base + ch, ch)], i1)
        g0 = pltpu.async_copy(cb_hbm.at[i0], r0, sg0)
        g1 = pltpu.async_copy(cb_hbm.at[i1], r1, sg1)
        g0.wait()
        s0 = pltpu.async_copy(r0, q_hbm.at[pl.ds(base, ch)], ss0)
        g1.wait()
        s1 = pltpu.async_copy(r1, q_hbm.at[pl.ds(base + ch, ch)], ss1)
        s0.wait()
        s1.wait()

    return gather


def _make_enc(b, bt, dim, hid, cd, num_codes, kt):
    nsteps = b // bt
    full = lambda shape: pl.BlockSpec(shape, lambda i: (0,) * len(shape))
    batch = lambda shape: pl.BlockSpec(shape, lambda i: (i,) + (0,) * (len(shape) - 1))
    return pl.pallas_call(
        functools.partial(_enc_vq_body, bt, num_codes, kt),
        grid=(nsteps,),
        in_specs=[
            batch((bt, dim)),
            full((dim, hid)), full((1, hid)), full((1, hid)), full((1, hid)),
            full((hid, cd)), full((1, cd)), full((1, cd)), full((1, cd)),
            full((cd, num_codes)),
        ],
        out_specs=[batch((bt, cd)), batch((bt, 1))],
        out_shape=[jax.ShapeDtypeStruct((b, cd), _F32),
                   jax.ShapeDtypeStruct((b, 1), jnp.int32)],
        scratch_shapes=[pltpu.VMEM((1, num_codes), _F32),
                        pltpu.VMEM((1, num_codes), _F32)],
        compiler_params=pltpu.CompilerParams(
            dimension_semantics=("arbitrary",)),
    )


def _make_dec(b, bt, dim, hid, cd):
    nsteps = b // bt
    full = lambda shape: pl.BlockSpec(shape, lambda i: (0,) * len(shape))
    batch = lambda shape: pl.BlockSpec(shape, lambda i: (i,) + (0,) * (len(shape) - 1))
    return pl.pallas_call(
        functools.partial(_dec_body, nsteps, 1.0 / (b * cd)),
        grid=(nsteps,),
        in_specs=[
            batch((bt, cd)), batch((bt, cd)),
            full((cd, hid)), full((1, hid)), full((hid, dim)), full((1, dim)),
        ],
        out_specs=[batch((bt, cd)), batch((bt, dim)), full((1, 1))],
        out_shape=[jax.ShapeDtypeStruct((b, cd), _F32),
                   jax.ShapeDtypeStruct((b, dim), _F32),
                   jax.ShapeDtypeStruct((1, 1), _F32)],
        compiler_params=pltpu.CompilerParams(
            dimension_semantics=("arbitrary",)),
    )


def kernel(x_a, x_b,
           ea_w1, ea_b1, ea_g1, ea_be1, ea_w2, ea_b2, ea_g2, ea_be2,
           ea_dw1, ea_db1, ea_dw2, ea_db2,
           eb_w1, eb_b1, eb_g1, eb_be1, eb_w2, eb_b2, eb_g2, eb_be2,
           eb_dw1, eb_db1, eb_dw2, eb_db2,
           codebook):
    b, dim_a = x_a.shape
    dim_b = x_b.shape[1]
    hid = ea_w1.shape[1]
    cd = ea_w2.shape[1]
    num_codes = codebook.shape[0]
    bt = 1024 if b % 1024 == 0 else b
    kt = 1024 if num_codes % 1024 == 0 else num_codes

    row = lambda v: v.reshape(1, -1)

    cb_t = codebook.T
    enc_a = _make_enc(b, bt, dim_a, hid, cd, num_codes, kt)
    enc_b = _make_enc(b, bt, dim_b, hid, cd, num_codes, kt)
    z_a, ia2 = enc_a(x_a, ea_w1, row(ea_b1), row(ea_g1), row(ea_be1),
                     ea_w2, row(ea_b2), row(ea_g2), row(ea_be2), cb_t)
    z_b, ib2 = enc_b(x_b, eb_w1, row(eb_b1), row(eb_g1), row(eb_be1),
                     eb_w2, row(eb_b2), row(eb_g2), row(eb_be2), cb_t)
    idx_a = ia2.reshape(b)
    idx_b = ib2.reshape(b)

    gather = _make_sc_gather(cd, b)
    q_raw_a = gather(codebook, idx_a)
    q_raw_b = gather(codebook, idx_b)

    dec_a = _make_dec(b, bt, dim_a, hid, cd)
    dec_b = _make_dec(b, bt, dim_b, hid, cd)
    q_a, recon_a, ca = dec_a(z_a, q_raw_a,
                             ea_dw1.astype(_BF16), row(ea_db1),
                             ea_dw2.astype(_BF16), row(ea_db2))
    q_b, recon_b, cb = dec_b(z_b, q_raw_b,
                             eb_dw1.astype(_BF16), row(eb_db1),
                             eb_dw2.astype(_BF16), row(eb_db2))

    return (z_a, z_b, q_a, q_b, idx_a, idx_b, recon_a, recon_b,
            ca.reshape(()), cb.reshape(()))

# --- scband reference (transcript-rebuilt; emitter-appended) ---
"""Pipeline reference for scband-cross-modal-codebook-10204842295876 (READ-ONLY COPY).

The authoritative reference and input builder live on the scoring server;
editing this copy changes nothing except your own understanding.
"""

import jax, jax.numpy as jnp
import numpy as np

B = 8192
DIM_A = 768
DIM_B = 512
CODE_DIM = 256
NUM_CODES = 8192
HID = 512


def _ln(x, g, b, eps=1e-5):
    m = jnp.mean(x, axis=-1, keepdims=True)
    v = jnp.mean((x - m) ** 2, axis=-1, keepdims=True)
    return (x - m) / jnp.sqrt(v + eps) * g + b


def _encode(x, w1, b1, g1, be1, w2, b2, g2, be2):
    h = jax.nn.relu(_ln(x @ w1 + b1, g1, be1))
    return _ln(h @ w2 + b2, g2, be2)


def _decode(z, dw1, db1, dw2, db2):
    return jax.nn.relu(z @ dw1 + db1) @ dw2 + db2


def _vq(z, E):
    dists = jnp.sum(z ** 2, axis=1, keepdims=True) - 2.0 * (z @ E.T) + jnp.sum(E ** 2, axis=1)
    idx = jnp.argmin(dists, axis=1)
    q = jnp.take(E, idx, axis=0)
    q_st = z + jax.lax.stop_gradient(q - z)
    comm = jnp.mean((z - jax.lax.stop_gradient(q)) ** 2)
    return q_st, idx, comm


def setup_inputs(seed: int = 0):
    key = jax.random.key(seed)
    ks = [jax.random.fold_in(key, i) for i in range(16)]

    def lin(k, fan_in, shape):
        return jax.random.normal(k, shape, dtype=jnp.float32) * (1.0 / np.sqrt(fan_in))

    inp = {}
    inp['x_a'] = jax.random.normal(ks[0], (B, DIM_A), dtype=jnp.float32)
    inp['x_b'] = jax.random.normal(ks[1], (B, DIM_B), dtype=jnp.float32)
    # modality A encoder/decoder
    inp['ea_w1'] = lin(ks[2], DIM_A, (DIM_A, HID)); inp['ea_b1'] = jnp.zeros((HID,), jnp.float32)
    inp['ea_g1'] = jnp.ones((HID,), jnp.float32); inp['ea_be1'] = jnp.zeros((HID,), jnp.float32)
    inp['ea_w2'] = lin(ks[3], HID, (HID, CODE_DIM)); inp['ea_b2'] = jnp.zeros((CODE_DIM,), jnp.float32)
    inp['ea_g2'] = jnp.ones((CODE_DIM,), jnp.float32); inp['ea_be2'] = jnp.zeros((CODE_DIM,), jnp.float32)
    inp['ea_dw1'] = lin(ks[4], CODE_DIM, (CODE_DIM, HID)); inp['ea_db1'] = jnp.zeros((HID,), jnp.float32)
    inp['ea_dw2'] = lin(ks[5], HID, (HID, DIM_A)); inp['ea_db2'] = jnp.zeros((DIM_A,), jnp.float32)
    # modality B encoder/decoder
    inp['eb_w1'] = lin(ks[6], DIM_B, (DIM_B, HID)); inp['eb_b1'] = jnp.zeros((HID,), jnp.float32)
    inp['eb_g1'] = jnp.ones((HID,), jnp.float32); inp['eb_be1'] = jnp.zeros((HID,), jnp.float32)
    inp['eb_w2'] = lin(ks[7], HID, (HID, CODE_DIM)); inp['eb_b2'] = jnp.zeros((CODE_DIM,), jnp.float32)
    inp['eb_g2'] = jnp.ones((CODE_DIM,), jnp.float32); inp['eb_be2'] = jnp.zeros((CODE_DIM,), jnp.float32)
    inp['eb_dw1'] = lin(ks[8], CODE_DIM, (CODE_DIM, HID)); inp['eb_db1'] = jnp.zeros((HID,), jnp.float32)
    inp['eb_dw2'] = lin(ks[9], HID, (HID, DIM_B)); inp['eb_db2'] = jnp.zeros((DIM_B,), jnp.float32)
    # shared VQ codebook, init uniform(-1/K, 1/K) as in torch code
    inp['codebook'] = jax.random.uniform(ks[10], (NUM_CODES, CODE_DIM), dtype=jnp.float32, minval=-1.0 / NUM_CODES, maxval=1.0 / NUM_CODES)
    return inp


def reference(x_a, x_b, ea_w1, ea_b1, ea_g1, ea_be1, ea_w2, ea_b2, ea_g2, ea_be2, ea_dw1, ea_db1, ea_dw2, ea_db2, eb_w1, eb_b1, eb_g1, eb_be1, eb_w2, eb_b2, eb_g2, eb_be2, eb_dw1, eb_db1, eb_dw2, eb_db2, codebook):
    z_a = _encode(x_a, ea_w1, ea_b1, ea_g1, ea_be1, ea_w2, ea_b2, ea_g2, ea_be2)
    z_b = _encode(x_b, eb_w1, eb_b1, eb_g1, eb_be1, eb_w2, eb_b2, eb_g2, eb_be2)
    q_a, idx_a, comm_a = _vq(z_a, codebook)
    q_b, idx_b, comm_b = _vq(z_b, codebook)
    recon_a = _decode(q_a, ea_dw1, ea_db1, ea_dw2, ea_db2)
    recon_b = _decode(q_b, eb_dw1, eb_db1, eb_dw2, eb_db2)
    return (z_a, z_b, q_a, q_b, idx_a, idx_b, recon_a, recon_b, comm_a, comm_b)

if __name__ == "__main__":
    import jax
    _d = setup_inputs()
    print(jax.jit(kernel)(*tuple(_d.values())))

</pallas_src>

<mosaic_0001>
#map = affine_map<(d0, d1) -> (0, 0)>
#map1 = affine_map<(d0, d1) -> (0)>
module attributes {stable_mosaic.version = 14 : i64} {
  func.func @gather(%arg0: i32, %arg1: i32, %arg2: memref<8192x256xf32, #tpu.memory_space<hbm>>, %arg3: memref<8192xi32, #tpu.memory_space<hbm>>, %arg4: memref<8192x256xf32, #tpu.memory_space<hbm>>, %arg5: memref<128xi32, #tpu.memory_space<vmem>>, %arg6: memref<128xi32, #tpu.memory_space<vmem>>, %arg7: memref<128x256xf32, #tpu.memory_space<vmem>>, %arg8: memref<128x256xf32, #tpu.memory_space<vmem>>, %arg9: memref<!tpu.dma_semaphore, #tpu.memory_space<semaphore_mem>>, %arg10: memref<!tpu.dma_semaphore, #tpu.memory_space<semaphore_mem>>, %arg11: memref<!tpu.dma_semaphore, #tpu.memory_space<semaphore_mem>>, %arg12: memref<!tpu.dma_semaphore, #tpu.memory_space<semaphore_mem>>) attributes {dimension_semantics = [#tpu.dimension_semantics<core_parallel>, #tpu.dimension_semantics<subcore_parallel>], iteration_bounds = array<i64: 2, 16>, scalar_prefetch = 0 : i64, scratch_operands = 8 : i64, tpu.core_type = #tpu.core_type<sc_vector_subcore>, window_params = [{transform_indices = #map}, {transform_indices = #map1}, {transform_indices = #map}]} {
    %mul3A = arith.constant 2 : i32
    %mul3A_0 = arith.muli %arg1, %mul3A : i32
    %add3A = arith.addi %mul3A_0, %arg0 : i32
    %mul3A_1 = arith.constant 256 : i32
    %mul3A_2 = arith.muli %add3A, %mul3A_1 : i32
    "tpu.region"() ({
      %run_scoped3A = tpu.sem_alloc : memref<!tpu.dma_semaphore, #tpu.memory_space<semaphore_mem>>
      %dma_start3A_33 = tpu.memref_slice %arg3[%mul3A_2] : memref<8192xi32, #tpu.memory_space<hbm>> -> memref<128xi32, #tpu.memory_space<hbm>>
      %dma_start3A_34 = tpu.memref_slice %arg3[%mul3A_2] : memref<8192xi32, #tpu.memory_space<hbm>> -> memref<128xi32, #tpu.memory_space<hbm>>
      tpu.enqueue_dma source(%dma_start3A_34 : memref<128xi32, #tpu.memory_space<hbm>>) target(%arg5 : memref<128xi32, #tpu.memory_space<vmem>>) target_semaphore(%run_scoped3A : memref<!tpu.dma_semaphore, #tpu.memory_space<semaphore_mem>>)
      %dma_wait3A_35 = tpu.memref_slice %arg3[%mul3A_2] : memref<8192xi32, #tpu.memory_space<hbm>> -> memref<128xi32, #tpu.memory_space<hbm>>
      %dma_wait3A_36 = tpu.memref_slice %arg3[%mul3A_2] : memref<8192xi32, #tpu.memory_space<hbm>> -> memref<128xi32, #tpu.memory_space<hbm>>
      tpu.wait_dma2 semaphore(%run_scoped3A : memref<!tpu.dma_semaphore, #tpu.memory_space<semaphore_mem>>) src(%dma_wait3A_36 : memref<128xi32, #tpu.memory_space<hbm>>) dst(%arg5 : memref<128xi32, #tpu.memory_space<vmem>>)
      tpu.yield
    }) : () -> ()
    %add3A_3 = arith.constant 128 : i32
    %add3A_4 = arith.addi %mul3A_2, %add3A_3 : i32
    "tpu.region"() ({
      %run_scoped3A = tpu.sem_alloc : memref<!tpu.dma_semaphore, #tpu.memory_space<semaphore_mem>>
      %dma_start3A_33 = tpu.memref_slice %arg3[%add3A_4] : memref<8192xi32, #tpu.memory_space<hbm>> -> memref<128xi32, #tpu.memory_space<hbm>>
      %dma_start3A_34 = tpu.memref_slice %arg3[%add3A_4] : memref<8192xi32, #tpu.memory_space<hbm>> -> memref<128xi32, #tpu.memory_space<hbm>>
      tpu.enqueue_dma source(%dma_start3A_34 : memref<128xi32, #tpu.memory_space<hbm>>) target(%arg6 : memref<128xi32, #tpu.memory_space<vmem>>) target_semaphore(%run_scoped3A : memref<!tpu.dma_semaphore, #tpu.memory_space<semaphore_mem>>)
      %dma_wait3A_35 = tpu.memref_slice %arg3[%add3A_4] : memref<8192xi32, #tpu.memory_space<hbm>> -> memref<128xi32, #tpu.memory_space<hbm>>
      %dma_wait3A_36 = tpu.memref_slice %arg3[%add3A_4] : memref<8192xi32, #tpu.memory_space<hbm>> -> memref<128xi32, #tpu.memory_space<hbm>>
      tpu.wait_dma2 semaphore(%run_scoped3A : memref<!tpu.dma_semaphore, #tpu.memory_space<semaphore_mem>>) src(%dma_wait3A_36 : memref<128xi32, #tpu.memory_space<hbm>>) dst(%arg6 : memref<128xi32, #tpu.memory_space<vmem>>)
      tpu.yield
    }) : () -> ()
    %dma_start3A = arith.constant 0 : i32
    %dma_start3A_5 = arith.constant 0 : i32
    %dma_start3A_6 = tpu.memref_slice %arg2[%dma_start3A, %dma_start3A_5] : memref<8192x256xf32, #tpu.memory_space<hbm>> -> memref<8192x256xf32, #tpu.memory_space<hbm>>
    tpu.enqueue_indirect_dma source(%dma_start3A_6 : memref<8192x256xf32, #tpu.memory_space<hbm>>) target(%arg7 : memref<128x256xf32, #tpu.memory_space<vmem>>) offsets(%arg5 : memref<128xi32, #tpu.memory_space<vmem>>) semaphore(%arg9 : memref<!tpu.dma_semaphore, #tpu.memory_space<semaphore_mem>>)
    %dma_start3A_7 = arith.constant 0 : i32
    %dma_start3A_8 = arith.constant 0 : i32
    %dma_start3A_9 = tpu.memref_slice %arg2[%dma_start3A_7, %dma_start3A_8] : memref<8192x256xf32, #tpu.memory_space<hbm>> -> memref<8192x256xf32, #tpu.memory_space<hbm>>
    tpu.enqueue_indirect_dma source(%dma_start3A_9 : memref<8192x256xf32, #tpu.memory_space<hbm>>) target(%arg8 : memref<128x256xf32, #tpu.memory_space<vmem>>) offsets(%arg6 : memref<128xi32, #tpu.memory_space<vmem>>) semaphore(%arg10 : memref<!tpu.dma_semaphore, #tpu.memory_space<semaphore_mem>>)
    %dma_wait3A = arith.constant 0 : i32
    %dma_wait3A_10 = arith.constant 0 : i32
    %dma_wait3A_11 = tpu.memref_slice %arg2[%dma_wait3A, %dma_wait3A_10] : memref<8192x256xf32, #tpu.memory_space<hbm>> -> memref<8192x256xf32, #tpu.memory_space<hbm>>
    tpu.wait_indirect_dma semaphore(%arg9 : memref<!tpu.dma_semaphore, #tpu.memory_space<semaphore_mem>>) src(%dma_wait3A_11 : memref<8192x256xf32, #tpu.memory_space<hbm>>) dst(%arg7 : memref<128x256xf32, #tpu.memory_space<vmem>>)
    %dma_start3A_12 = arith.constant 0 : i32
    %dma_start3A_13 = tpu.memref_slice %arg4[%mul3A_2, %dma_start3A_12] : memref<8192x256xf32, #tpu.memory_space<hbm>> -> memref<128x256xf32, #tpu.memory_space<hbm>>
    %dma_start3A_14 = arith.constant 0 : i32
    %dma_start3A_15 = tpu.memref_slice %arg4[%mul3A_2, %dma_start3A_14] : memref<8192x256xf32, #tpu.memory_space<hbm>> -> memref<128x256xf32, #tpu.memory_space<hbm>>
    tpu.enqueue_dma source(%arg7 : memref<128x256xf32, #tpu.memory_space<vmem>>) target(%dma_start3A_15 : memref<128x256xf32, #tpu.memory_space<hbm>>) target_semaphore(%arg11 : memref<!tpu.dma_semaphore, #tpu.memory_space<semaphore_mem>>)
    %dma_wait3A_16 = arith.constant 0 : i32
    %dma_wait3A_17 = arith.constant 0 : i32
    %dma_wait3A_18 = tpu.memref_slice %arg2[%dma_wait3A_16, %dma_wait3A_17] : memref<8192x256xf32, #tpu.memory_space<hbm>> -> memref<8192x256xf32, #tpu.memory_space<hbm>>
    tpu.wait_indirect_dma semaphore(%arg10 : memref<!tpu.dma_semaphore, #tpu.memory_space<semaphore_mem>>) src(%dma_wait3A_18 : memref<8192x256xf32, #tpu.memory_space<hbm>>) dst(%arg8 : memref<128x256xf32, #tpu.memory_space<vmem>>)
    %add3A_19 = arith.constant 128 : i32
    %add3A_20 = arith.addi %mul3A_2, %add3A_19 : i32
    %dma_start3A_21 = arith.constant 0 : i32
    %dma_start3A_22 = tpu.memref_slice %arg4[%add3A_20, %dma_start3A_21] : memref<8192x256xf32, #tpu.memory_space<hbm>> -> memref<128x256xf32, #tpu.memory_space<hbm>>
    %dma_start3A_23 = arith.constant 0 : i32
    %dma_start3A_24 = tpu.memref_slice %arg4[%add3A_20, %dma_start3A_23] : memref<8192x256xf32, #tpu.memory_space<hbm>> -> memref<128x256xf32, #tpu.memory_space<hbm>>
    tpu.enqueue_dma source(%arg8 : memref<128x256xf32, #tpu.memory_space<vmem>>) target(%dma_start3A_24 : memref<128x256xf32, #tpu.memory_space<hbm>>) target_semaphore(%arg12 : memref<!tpu.dma_semaphore, #tpu.memory_space<semaphore_mem>>)
    %dma_wait3A_25 = arith.constant 0 : i32
    %dma_wait3A_26 = tpu.memref_slice %arg4[%mul3A_2, %dma_wait3A_25] : memref<8192x256xf32, #tpu.memory_space<hbm>> -> memref<128x256xf32, #tpu.memory_space<hbm>>
    %dma_wait3A_27 = arith.constant 0 : i32
    %dma_wait3A_28 = tpu.memref_slice %arg4[%mul3A_2, %dma_wait3A_27] : memref<8192x256xf32, #tpu.memory_space<hbm>> -> memref<128x256xf32, #tpu.memory_space<hbm>>
    tpu.wait_dma2 semaphore(%arg11 : memref<!tpu.dma_semaphore, #tpu.memory_space<semaphore_mem>>) src(%arg7 : memref<128x256xf32, #tpu.memory_space<vmem>>) dst(%dma_wait3A_28 : memref<128x256xf32, #tpu.memory_space<hbm>>)
    %dma_wait3A_29 = arith.constant 0 : i32
    %dma_wait3A_30 = tpu.memref_slice %arg4[%add3A_20, %dma_wait3A_29] : memref<8192x256xf32, #tpu.memory_space<hbm>> -> memref<128x256xf32, #tpu.memory_space<hbm>>
    %dma_wait3A_31 = arith.constant 0 : i32
    %dma_wait3A_32 = tpu.memref_slice %arg4[%add3A_20, %dma_wait3A_31] : memref<8192x256xf32, #tpu.memory_space<hbm>> -> memref<128x256xf32, #tpu.memory_space<hbm>>
    tpu.wait_dma2 semaphore(%arg12 : memref<!tpu.dma_semaphore, #tpu.memory_space<semaphore_mem>>) src(%arg8 : memref<128x256xf32, #tpu.memory_space<vmem>>) dst(%dma_wait3A_32 : memref<128x256xf32, #tpu.memory_space<hbm>>)
    return
  }
}

#map = affine_map<(d0, d1) -> (0, 0)>
#map1 = affine_map<(d0, d1) -> (0)>
module attributes {stable_mosaic.version = 14 : i64} {
  func.func @gather(%arg0: i32, %arg1: i32, %arg2: memref<8192x256xf32, #tpu.memory_space<hbm>>, %arg3: memref<8192xi32, #tpu.memory_space<hbm>>, %arg4: memref<8192x256xf32, #tpu.memory_space<hbm>>, %arg5: memref<128xi32, #tpu.memory_space<vmem>>, %arg6: memref<128xi32, #tpu.memory_space<vmem>>, %arg7: memref<128x256xf32, #tpu.memory_space<vmem>>, %arg8: memref<128x256xf32, #tpu.memory_space<vmem>>, %arg9: memref<!tpu.dma_semaphore, #tpu.memory_space<semaphore_mem>>, %arg10: memref<!tpu.dma_semaphore, #tpu.memory_space<semaphore_mem>>, %arg11: memref<!tpu.dma_semaphore, #tpu.memory_space<semaphore_mem>>, %arg12: memref<!tpu.dma_semaphore, #tpu.memory_space<semaphore_mem>>) attributes {dimension_semantics = [#tpu.dimension_semantics<core_parallel>, #tpu.dimension_semantics<subcore_parallel>], iteration_bounds = array<i64: 2, 16>, scalar_prefetch = 0 : i64, scratch_operands = 8 : i64, tpu.core_type = #tpu.core_type<sc_vector_subcore>, window_params = [{transform_indices = #map}, {transform_indices = #map1}, {transform_indices = #map}]} {
    %mul3A = arith.constant 2 : i32
    %mul3A_0 = arith.muli %arg1, %mul3A : i32
    %add3A = arith.addi %mul3A_0, %arg0 : i32
    %mul3A_1 = arith.constant 256 : i32
    %mul3A_2 = arith.muli %add3A, %mul3A_1 : i32
    "tpu.region"() ({
      %run_scoped3A = tpu.sem_alloc : memref<!tpu.dma_semaphore, #tpu.memory_space<semaphore_mem>>
      %dma_start3A_33 = tpu.memref_slice %arg3[%mul3A_2] : memref<8192xi32, #tpu.memory_space<hbm>> -> memref<128xi32, #tpu.memory_space<hbm>>
      %dma_start3A_34 = tpu.memref_slice %arg3[%mul3A_2] : memref<8192xi32, #tpu.memory_space<hbm>> -> memref<128xi32, #tpu.memory_space<hbm>>
      tpu.enqueue_dma source(%dma_start3A_34 : memref<128xi32, #tpu.memory_space<hbm>>) target(%arg5 : memref<128xi32, #tpu.memory_space<vmem>>) target_semaphore(%run_scoped3A : memref<!tpu.dma_semaphore, #tpu.memory_space<semaphore_mem>>)
      %dma_wait3A_35 = tpu.memref_slice %arg3[%mul3A_2] : memref<8192xi32, #tpu.memory_space<hbm>> -> memref<128xi32, #tpu.memory_space<hbm>>
      %dma_wait3A_36 = tpu.memref_slice %arg3[%mul3A_2] : memref<8192xi32, #tpu.memory_space<hbm>> -> memref<128xi32, #tpu.memory_space<hbm>>
      tpu.wait_dma2 semaphore(%run_scoped3A : memref<!tpu.dma_semaphore, #tpu.memory_space<semaphore_mem>>) src(%dma_wait3A_36 : memref<128xi32, #tpu.memory_space<hbm>>) dst(%arg5 : memref<128xi32, #tpu.memory_space<vmem>>)
      tpu.yield
    }) : () -> ()
    %add3A_3 = arith.constant 128 : i32
    %add3A_4 = arith.addi %mul3A_2, %add3A_3 : i32
    "tpu.region"() ({
      %run_scoped3A = tpu.sem_alloc : memref<!tpu.dma_semaphore, #tpu.memory_space<semaphore_mem>>
      %dma_start3A_33 = tpu.memref_slice %arg3[%add3A_4] : memref<8192xi32, #tpu.memory_space<hbm>> -> memref<128xi32, #tpu.memory_space<hbm>>
      %dma_start3A_34 = tpu.memref_slice %arg3[%add3A_4] : memref<8192xi32, #tpu.memory_space<hbm>> -> memref<128xi32, #tpu.memory_space<hbm>>
      tpu.enqueue_dma source(%dma_start3A_34 : memref<128xi32, #tpu.memory_space<hbm>>) target(%arg6 : memref<128xi32, #tpu.memory_space<vmem>>) target_semaphore(%run_scoped3A : memref<!tpu.dma_semaphore, #tpu.memory_space<semaphore_mem>>)
      %dma_wait3A_35 = tpu.memref_slice %arg3[%add3A_4] : memref<8192xi32, #tpu.memory_space<hbm>> -> memref<128xi32, #tpu.memory_space<hbm>>
      %dma_wait3A_36 = tpu.memref_slice %arg3[%add3A_4] : memref<8192xi32, #tpu.memory_space<hbm>> -> memref<128xi32, #tpu.memory_space<hbm>>
      tpu.wait_dma2 semaphore(%run_scoped3A : memref<!tpu.dma_semaphore, #tpu.memory_space<semaphore_mem>>) src(%dma_wait3A_36 : memref<128xi32, #tpu.memory_space<hbm>>) dst(%arg6 : memref<128xi32, #tpu.memory_space<vmem>>)
      tpu.yield
    }) : () -> ()
    %dma_start3A = arith.constant 0 : i32
    %dma_start3A_5 = arith.constant 0 : i32
    %dma_start3A_6 = tpu.memref_slice %arg2[%dma_start3A, %dma_start3A_5] : memref<8192x256xf32, #tpu.memory_space<hbm>> -> memref<8192x256xf32, #tpu.memory_space<hbm>>
    tpu.enqueue_indirect_dma source(%dma_start3A_6 : memref<8192x256xf32, #tpu.memory_space<hbm>>) target(%arg7 : memref<128x256xf32, #tpu.memory_space<vmem>>) offsets(%arg5 : memref<128xi32, #tpu.memory_space<vmem>>) semaphore(%arg9 : memref<!tpu.dma_semaphore, #tpu.memory_space<semaphore_mem>>)
    %dma_start3A_7 = arith.constant 0 : i32
    %dma_start3A_8 = arith.constant 0 : i32
    %dma_start3A_9 = tpu.memref_slice %arg2[%dma_start3A_7, %dma_start3A_8] : memref<8192x256xf32, #tpu.memory_space<hbm>> -> memref<8192x256xf32, #tpu.memory_space<hbm>>
    tpu.enqueue_indirect_dma source(%dma_start3A_9 : memref<8192x256xf32, #tpu.memory_space<hbm>>) target(%arg8 : memref<128x256xf32, #tpu.memory_space<vmem>>) offsets(%arg6 : memref<128xi32, #tpu.memory_space<vmem>>) semaphore(%arg10 : memref<!tpu.dma_semaphore, #tpu.memory_space<semaphore_mem>>)
    %dma_wait3A = arith.constant 0 : i32
    %dma_wait3A_10 = arith.constant 0 : i32
    %dma_wait3A_11 = tpu.memref_slice %arg2[%dma_wait3A, %dma_wait3A_10] : memref<8192x256xf32, #tpu.memory_space<hbm>> -> memref<8192x256xf32, #tpu.memory_space<hbm>>
    tpu.wait_indirect_dma semaphore(%arg9 : memref<!tpu.dma_semaphore, #tpu.memory_space<semaphore_mem>>) src(%dma_wait3A_11 : memref<8192x256xf32, #tpu.memory_space<hbm>>) dst(%arg7 : memref<128x256xf32, #tpu.memory_space<vmem>>)
    %dma_start3A_12 = arith.constant 0 : i32
    %dma_start3A_13 = tpu.memref_slice %arg4[%mul3A_2, %dma_start3A_12] : memref<8192x256xf32, #tpu.memory_space<hbm>> -> memref<128x256xf32, #tpu.memory_space<hbm>>
    %dma_start3A_14 = arith.constant 0 : i32
    %dma_start3A_15 = tpu.memref_slice %arg4[%mul3A_2, %dma_start3A_14] : memref<8192x256xf32, #tpu.memory_space<hbm>> -> memref<128x256xf32, #tpu.memory_space<hbm>>
    tpu.enqueue_dma source(%arg7 : memref<128x256xf32, #tpu.memory_space<vmem>>) target(%dma_start3A_15 : memref<128x256xf32, #tpu.memory_space<hbm>>) target_semaphore(%arg11 : memref<!tpu.dma_semaphore, #tpu.memory_space<semaphore_mem>>)
    %dma_wait3A_16 = arith.constant 0 : i32
    %dma_wait3A_17 = arith.constant 0 : i32
    %dma_wait3A_18 = tpu.memref_slice %arg2[%dma_wait3A_16, %dma_wait3A_17] : memref<8192x256xf32, #tpu.memory_space<hbm>> -> memref<8192x256xf32, #tpu.memory_space<hbm>>
    tpu.wait_indirect_dma semaphore(%arg10 : memref<!tpu.dma_semaphore, #tpu.memory_space<semaphore_mem>>) src(%dma_wait3A_18 : memref<8192x256xf32, #tpu.memory_space<hbm>>) dst(%arg8 : memref<128x256xf32, #tpu.memory_space<vmem>>)
    %add3A_19 = arith.constant 128 : i32
    %add3A_20 = arith.addi %mul3A_2, %add3A_19 : i32
    %dma_start3A_21 = arith.constant 0 : i32
    %dma_start3A_22 = tpu.memref_slice %arg4[%add3A_20, %dma_start3A_21] : memref<8192x256xf32, #tpu.memory_space<hbm>> -> memref<128x256xf32, #tpu.memory_space<hbm>>
    %dma_start3A_23 = arith.constant 0 : i32
    %dma_start3A_24 = tpu.memref_slice %arg4[%add3A_20, %dma_start3A_23] : memref<8192x256xf32, #tpu.memory_space<hbm>> -> memref<128x256xf32, #tpu.memory_space<hbm>>
    tpu.enqueue_dma source(%arg8 : memref<128x256xf32, #tpu.memory_space<vmem>>) target(%dma_start3A_24 : memref<128x256xf32, #tpu.memory_space<hbm>>) target_semaphore(%arg12 : memref<!tpu.dma_semaphore, #tpu.memory_space<semaphore_mem>>)
    %dma_wait3A_25 = arith.constant 0 : i32
    %dma_wait3A_26 = tpu.memref_slice %arg4[%mul3A_2, %dma_wait3A_25] : memref<8192x256xf32, #tpu.memory_space<hbm>> -> memref<128x256xf32, #tpu.memory_space<hbm>>
    %dma_wait3A_27 = arith.constant 0 : i32
    %dma_wait3A_28 = tpu.memref_slice %arg4[%mul3A_2, %dma_wait3A_27] : memref<8192x256xf32, #tpu.memory_space<hbm>> -> memref<128x256xf32, #tpu.memory_space<hbm>>
    tpu.wait_dma2 semaphore(%arg11 : memref<!tpu.dma_semaphore, #tpu.memory_space<semaphore_mem>>) src(%arg7 : memref<128x256xf32, #tpu.memory_space<vmem>>) dst(%dma_wait3A_28 : memref<128x256xf32, #tpu.memory_space<hbm>>)
    %dma_wait3A_29 = arith.constant 0 : i32
    %dma_wait3A_30 = tpu.memref_slice %arg4[%add3A_20, %dma_wait3A_29] : memref<8192x256xf32, #tpu.memory_space<hbm>> -> memref<128x256xf32, #tpu.memory_space<hbm>>
    %dma_wait3A_31 = arith.constant 0 : i32
    %dma_wait3A_32 = tpu.memref_slice %arg4[%add3A_20, %dma_wait3A_31] : memref<8192x256xf32, #tpu.memory_space<hbm>> -> memref<128x256xf32, #tpu.memory_space<hbm>>
    tpu.wait_dma2 semaphore(%arg12 : memref<!tpu.dma_semaphore, #tpu.memory_space<semaphore_mem>>) src(%arg8 : memref<128x256xf32, #tpu.memory_space<vmem>>) dst(%dma_wait3A_32 : memref<128x256xf32, #tpu.memory_space<hbm>>)
    return
  }
}

module attributes {stable_mosaic.version = 14 : i64} {
  func.func @_enc_vq_body(%arg0: i32, %arg1: memref<1024x512xf32, #tpu.memory_space<vmem>>, %arg2: memref<512x512xf32, #tpu.memory_space<vmem>>, %arg3: memref<1x512xf32, #tpu.memory_space<vmem>>, %arg4: memref<1x512xf32, #tpu.memory_space<vmem>>, %arg5: memref<1x512xf32, #tpu.memory_space<vmem>>, %arg6: memref<512x256xf32, #tpu.memory_space<vmem>>, %arg7: memref<1x256xf32, #tpu.memory_space<vmem>>, %arg8: memref<1x256xf32, #tpu.memory_space<vmem>>, %arg9: memref<1x256xf32, #tpu.memory_space<vmem>>, %arg10: memref<256x8192xf32, #tpu.memory_space<vmem>>, %arg11: memref<1024x256xf32, #tpu.memory_space<vmem>>, %arg12: memref<1024x1xi32, #tpu.memory_space<vmem>>, %arg13: memref<1x8192xf32, #tpu.memory_space<vmem>>, %arg14: memref<1x8192xf32, #tpu.memory_space<vmem>>) attributes {dimension_semantics = [#tpu.dimension_semantics<arbitrary>], iteration_bounds = array<i64: 8>, scalar_prefetch = 0 : i64, scratch_operands = 2 : i64, tpu.core_type = #tpu.core_type<tc>, window_params = [{transform_indices = @transform_0, window_bounds = array<i64: 1024, 512>}, {pipeline_mode = #tpu.pipeline_mode<synchronous>, transform_indices = @transform_1, window_bounds = array<i64: 512, 512>}, {pipeline_mode = #tpu.pipeline_mode<synchronous>, transform_indices = @transform_2, window_bounds = array<i64: 1, 512>}, {pipeline_mode = #tpu.pipeline_mode<synchronous>, transform_indices = @transform_3, window_bounds = array<i64: 1, 512>}, {pipeline_mode = #tpu.pipeline_mode<synchronous>, transform_indices = @transform_4, window_bounds = array<i64: 1, 512>}, {pipeline_mode = #tpu.pipeline_mode<synchronous>, transform_indices = @transform_5, window_bounds = array<i64: 512, 256>}, {pipeline_mode = #tpu.pipeline_mode<synchronous>, transform_indices = @transform_6, window_bounds = array<i64: 1, 256>}, {pipeline_mode = #tpu.pipeline_mode<synchronous>, transform_indices = @transform_7, window_bounds = array<i64: 1, 256>}, {pipeline_mode = #tpu.pipeline_mode<synchronous>, transform_indices = @transform_8, window_bounds = array<i64: 1, 256>}, {pipeline_mode = #tpu.pipeline_mode<synchronous>, transform_indices = @transform_9, window_bounds = array<i64: 256, 8192>}, {transform_indices = @transform_10, window_bounds = array<i64: 1024, 256>}, {transform_indices = @transform_11, window_bounds = array<i64: 1024, 1>}]} {
    %eq3A = arith.constant 0 : i32
    %eq3A_0 = arith.cmpi eq, %arg0, %eq3A : i32
    %convert_element_type3A = arith.extui %eq3A_0 : i1 to i32
    %cond3A = arith.constant 0 : i32
    %cond3A_1 = arith.cmpi ne, %convert_element_type3A, %cond3A : i32
    scf.if %cond3A_1 {
      %get3A_336 = arith.constant 0 : index
      %get3A_337 = arith.constant 0 : index
      %get3A_338 = vector.load %arg10[%get3A_336, %get3A_337] : memref<256x8192xf32, #tpu.memory_space<vmem>>, vector<256x8192xf32>
      %broadcast_in_dim3A_339 = arith.constant 1.000000e+00 : f32
      %broadcast_in_dim3A_340 = vector.broadcast %broadcast_in_dim3A_339 : f32 to vector<1x256xf32>
      %mul3A_341 = arith.mulf %get3A_338, %get3A_338 : vector<256x8192xf32>
      %dot_general3A_342 = arith.constant dense<0.000000e+00> : vector<1x8192xf32>
      %dot_general3A_343 = tpu.matmul %broadcast_in_dim3A_340, %mul3A_341, %dot_general3A_342 {dimension_numbers = #tpu.dot_dimension_numbers<[1], [0], [0], [1], [0, 0, 1, 1], [], []>, transpose_lhs_hint = false} : vector<1x256xf32>, vector<256x8192xf32>, vector<1x8192xf32> -> vector<1x8192xf32>
      %mul3A_344 = arith.constant 5.000000e-01 : f32
      %mul3A_345 = vector.broadcast %mul3A_344 : f32 to vector<1x8192xf32>
      %mul3A_346 = arith.mulf %mul3A_345, %dot_general3A_343 : vector<1x8192xf32>
      %swap3A_347 = arith.constant 0 : index
      %swap3A_348 = arith.constant 0 : index
      %swap3A_349 = vector.load %arg13[%swap3A_347, %swap3A_348] : memref<1x8192xf32, #tpu.memory_space<vmem>>, vector<1x8192xf32>
      tpu.vector_store %arg13[%swap3A_347, %swap3A_348], %mul3A_346 {strides = array<i32>} : memref<1x8192xf32, #tpu.memory_space<vmem>>, vector<1x8192xf32>,
      %iota3A = tpu.iota {dimensions = array<i32: 1>} : vector<1x8192xi32>
      %convert_element_type3A_350 = arith.sitofp %iota3A : vector<1x8192xi32> to vector<1x8192xf32>
      %swap3A_351 = arith.constant 0 : index
      %swap3A_352 = arith.constant 0 : index
      %swap3A_353 = vector.load %arg14[%swap3A_351, %swap3A_352] : memref<1x8192xf32, #tpu.memory_space<vmem>>, vector<1x8192xf32>
      tpu.vector_store %arg14[%swap3A_351, %swap3A_352], %convert_element_type3A_350 {strides = array<i32>} : memref<1x8192xf32, #tpu.memory_space<vmem>>, vector<1x8192xf32>,
    } else {
    }
    %get3A = arith.constant 0 : index
    %get3A_2 = arith.constant 0 : index
    %get3A_3 = vector.load %arg1[%get3A, %get3A_2] : memref<1024x512xf32, #tpu.memory_space<vmem>>, vector<1024x512xf32>
    %get3A_4 = arith.constant 0 : index
    %get3A_5 = arith.constant 0 : index
    %get3A_6 = vector.load %arg2[%get3A_4, %get3A_5] : memref<512x512xf32, #tpu.memory_space<vmem>>, vector<512x512xf32>
    %dot_general3A = arith.constant dense<0.000000e+00> : vector<1024x512xf32>
    %dot_general3A_7 = tpu.matmul %get3A_3, %get3A_6, %dot_general3A {dimension_numbers = #tpu.dot_dimension_numbers<[1], [0], [0], [1], [0, 0, 1, 1], [], []>, transpose_lhs_hint = false} : vector<1024x512xf32>, vector<512x512xf32>, vector<1024x512xf32> -> vector<1024x512xf32>
    %get3A_8 = arith.constant 0 : index
    %get3A_9 = arith.constant 0 : index
    %get3A_10 = vector.load %arg3[%get3A_8, %get3A_9] : memref<1x512xf32, #tpu.memory_space<vmem>>, vector<1x512xf32>
    %add3A = vector.broadcast %get3A_10 : vector<1x512xf32> to vector<1024x512xf32>
    %add3A_11 = arith.addf %dot_general3A_7, %add3A : vector<1024x512xf32>
    %get3A_12 = arith.constant 0 : index
    %get3A_13 = arith.constant 0 : index
    %get3A_14 = vector.load %arg4[%get3A_12, %get3A_13] : memref<1x512xf32, #tpu.memory_space<vmem>>, vector<1x512xf32>
    %get3A_15 = arith.constant 0 : index
    %get3A_16 = arith.constant 0 : index
    %get3A_17 = vector.load %arg5[%get3A_15, %get3A_16] : memref<1x512xf32, #tpu.memory_space<vmem>>, vector<1x512xf32>
    %reduce_sum3A = arith.constant dense<0.000000e+00> : vector<1024xf32>
    %reduce_sum3A_18 = vector.multi_reduction <add>, %add3A_11, %reduce_sum3A [1] : vector<1024x512xf32> to vector<1024xf32>
    %broadcast_in_dim3A = vector.shape_cast %reduce_sum3A_18 : vector<1024xf32> to vector<1024x1xf32>
    %div3A = arith.constant 5.120000e+02 : f32
    %div3A_19 = vector.broadcast %div3A : f32 to vector<1024x1xf32>
    %div3A_20 = arith.divf %broadcast_in_dim3A, %div3A_19 : vector<1024x1xf32>
    %sub3A = vector.broadcast %div3A_20 : vector<1024x1xf32> to vector<1024x512xf32>
    %sub3A_21 = arith.subf %add3A_11, %sub3A : vector<1024x512xf32>
    %integer_pow3A = arith.mulf %sub3A_21, %sub3A_21 : vector<1024x512xf32>
    %reduce_sum3A_22 = arith.constant dense<0.000000e+00> : vector<1024xf32>
    %reduce_sum3A_23 = vector.multi_reduction <add>, %integer_pow3A, %reduce_sum3A_22 [1] : vector<1024x512xf32> to vector<1024xf32>
    %broadcast_in_dim3A_24 = vector.shape_cast %reduce_sum3A_23 : vector<1024xf32> to vector<1024x1xf32>
    %div3A_25 = arith.constant 5.120000e+02 : f32
    %div3A_26 = vector.broadcast %div3A_25 : f32 to vector<1024x1xf32>
    %div3A_27 = arith.divf %broadcast_in_dim3A_24, %div3A_26 : vector<1024x1xf32>
    %sub3A_28 = vector.broadcast %div3A_20 : vector<1024x1xf32> to vector<1024x512xf32>
    %sub3A_29 = arith.subf %add3A_11, %sub3A_28 : vector<1024x512xf32>
    %add3A_30 = arith.constant 9.99999974E-6 : f32
    %add3A_31 = vector.broadcast %add3A_30 : f32 to vector<1024x1xf32>
    %add3A_32 = arith.addf %div3A_27, %add3A_31 : vector<1024x1xf32>
    %sqrt3A = math.sqrt %add3A_32 : vector<1024x1xf32>
    %div3A_33 = vector.broadcast %sqrt3A : vector<1024x1xf32> to vector<1024x512xf32>
    %div3A_34 = arith.divf %sub3A_29, %div3A_33 : vector<1024x512xf32>
    %mul3A = vector.broadcast %get3A_14 : vector<1x512xf32> to vector<1024x512xf32>
    %mul3A_35 = arith.mulf %div3A_34, %mul3A : vector<1024x512xf32>
    %add3A_36 = vector.broadcast %get3A_17 : vector<1x512xf32> to vector<1024x512xf32>
    %add3A_37 = arith.addf %mul3A_35, %add3A_36 : vector<1024x512xf32>
    %max3A = arith.constant 0.000000e+00 : f32
    %max3A_38 = vector.broadcast %max3A : f32 to vector<1024x512xf32>
    %max3A_39 = arith.maximumf %add3A_37, %max3A_38 : vector<1024x512xf32>
    %get3A_40 = arith.constant 0 : index
    %get3A_41 = arith.constant 0 : index
    %get3A_42 = vector.load %arg6[%get3A_40, %get3A_41] : memref<512x256xf32, #tpu.memory_space<vmem>>, vector<512x256xf32>
    %dot_general3A_43 = arith.constant dense<0.000000e+00> : vector<1024x256xf32>
    %dot_general3A_44 = tpu.matmul %max3A_39, %get3A_42, %dot_general3A_43 {dimension_numbers = #tpu.dot_dimension_numbers<[1], [0], [0], [1], [0, 0, 1, 1], [], []>, transpose_lhs_hint = false} : vector<1024x512xf32>, vector<512x256xf32>, vector<1024x256xf32> -> vector<1024x256xf32>
    %get3A_45 = arith.constant 0 : index
    %get3A_46 = arith.constant 0 : index
    %get3A_47 = vector.load %arg7[%get3A_45, %get3A_46] : memref<1x256xf32, #tpu.memory_space<vmem>>, vector<1x256xf32>
    %add3A_48 = vector.broadcast %get3A_47 : vector<1x256xf32> to vector<1024x256xf32>
    %add3A_49 = arith.addf %dot_general3A_44, %add3A_48 : vector<1024x256xf32>
    %get3A_50 = arith.constant 0 : index
    %get3A_51 = arith.constant 0 : index
    %get3A_52 = vector.load %arg8[%get3A_50, %get3A_51] : memref<1x256xf32, #tpu.memory_space<vmem>>, vector<1x256xf32>
    %get3A_53 = arith.constant 0 : index
    %get3A_54 = arith.constant 0 : index
    %get3A_55 = vector.load %arg9[%get3A_53, %get3A_54] : memref<1x256xf32, #tpu.memory_space<vmem>>, vector<1x256xf32>
    %reduce_sum3A_56 = arith.constant dense<0.000000e+00> : vector<1024xf32>
    %reduce_sum3A_57 = vector.multi_reduction <add>, %add3A_49, %reduce_sum3A_56 [1] : vector<1024x256xf32> to vector<1024xf32>
    %broadcast_in_dim3A_58 = vector.shape_cast %reduce_sum3A_57 : vector<1024xf32> to vector<1024x1xf32>
    %div3A_59 = arith.constant 2.560000e+02 : f32
    %div3A_60 = vector.broadcast %div3A_59 : f32 to vector<1024x1xf32>
    %div3A_61 = arith.divf %broadcast_in_dim3A_58, %div3A_60 : vector<1024x1xf32>
    %sub3A_62 = vector.broadcast %div3A_61 : vector<1024x1xf32> to vector<1024x256xf32>
    %sub3A_63 = arith.subf %add3A_49, %sub3A_62 : vector<1024x256xf32>
    %integer_pow3A_64 = arith.mulf %sub3A_63, %sub3A_63 : vector<1024x256xf32>
    %reduce_sum3A_65 = arith.constant dense<0.000000e+00> : vector<1024xf32>
    %reduce_sum3A_66 = vector.multi_reduction <add>, %integer_pow3A_64, %reduce_sum3A_65 [1] : vector<1024x256xf32> to vector<1024xf32>
    %broadcast_in_dim3A_67 = vector.shape_cast %reduce_sum3A_66 : vector<1024xf32> to vector<1024x1xf32>
    %div3A_68 = arith.constant 2.560000e+02 : f32
    %div3A_69 = vector.broadcast %div3A_68 : f32 to vector<1024x1xf32>
    %div3A_70 = arith.divf %broadcast_in_dim3A_67, %div3A_69 : vector<1024x1xf32>
    %sub3A_71 = vector.broadcast %div3A_61 : vector<1024x1xf32> to vector<1024x256xf32>
    %sub3A_72 = arith.subf %add3A_49, %sub3A_71 : vector<1024x256xf32>
    %add3A_73 = arith.constant 9.99999974E-6 : f32
    %add3A_74 = vector.broadcast %add3A_73 : f32 to vector<1024x1xf32>
    %add3A_75 = arith.addf %div3A_70, %add3A_74 : vector<1024x1xf32>
    %sqrt3A_76 = math.sqrt %add3A_75 : vector<1024x1xf32>
    %div3A_77 = vector.broadcast %sqrt3A_76 : vector<1024x1xf32> to vector<1024x256xf32>
    %div3A_78 = arith.divf %sub3A_72, %div3A_77 : vector<1024x256xf32>
    %mul3A_79 = vector.broadcast %get3A_52 : vector<1x256xf32> to vector<1024x256xf32>
    %mul3A_80 = arith.mulf %div3A_78, %mul3A_79 : vector<1024x256xf32>
    %add3A_81 = vector.broadcast %get3A_55 : vector<1x256xf32> to vector<1024x256xf32>
    %add3A_82 = arith.addf %mul3A_80, %add3A_81 : vector<1024x256xf32>
    %swap3A = arith.constant 0 : index
    %swap3A_83 = arith.constant 0 : index
    %swap3A_84 = vector.load %arg11[%swap3A, %swap3A_83] : memref<1024x256xf32, #tpu.memory_space<vmem>>, vector<1024x256xf32>
    tpu.vector_store %arg11[%swap3A, %swap3A_83], %add3A_82 {strides = array<i32>} : memref<1024x256xf32, #tpu.memory_space<vmem>>, vector<1024x256xf32>,
    %mul3A_85 = arith.mulf %add3A_82, %add3A_82 : vector<1024x256xf32>
    %reduce_sum3A_86 = arith.constant dense<0.000000e+00> : vector<1024xf32>
    %reduce_sum3A_87 = vector.multi_reduction <add>, %mul3A_85, %reduce_sum3A_86 [1] : vector<1024x256xf32> to vector<1024xf32>
    %broadcast_in_dim3A_88 = vector.shape_cast %reduce_sum3A_87 : vector<1024xf32> to vector<1024x1xf32>
    %mul3A_89 = arith.constant 5.000000e-01 : f32
    %mul3A_90 = vector.broadcast %mul3A_89 : f32 to vector<1024x1xf32>
    %mul3A_91 = arith.mulf %mul3A_90, %broadcast_in_dim3A_88 : vector<1024x1xf32>
    %get3A_92 = arith.constant 0 : index
    %get3A_93 = arith.constant 0 : index
    %get3A_94 = vector.load %arg10[%get3A_92, %get3A_93] : memref<256x8192xf32, #tpu.memory_space<vmem>>, vector<256x1024xf32>
    %dot_general3A_95 = arith.constant dense<0.000000e+00> : vector<1024x1024xf32>
    %dot_general3A_96 = tpu.matmul %add3A_82, %get3A_94, %dot_general3A_95 {dimension_numbers = #tpu.dot_dimension_numbers<[1], [0], [0], [1], [0, 0, 1, 1], [], []>, transpose_lhs_hint = false} : vector<1024x256xf32>, vector<256x1024xf32>, vector<1024x1024xf32> -> vector<1024x1024xf32>
    %sub3A_97 = vector.broadcast %mul3A_91 : vector<1024x1xf32> to vector<1024x1024xf32>
    %sub3A_98 = arith.subf %sub3A_97, %dot_general3A_96 : vector<1024x1024xf32>
    %get3A_99 = arith.constant 0 : index
    %get3A_100 = arith.constant 0 : index
    %get3A_101 = vector.load %arg13[%get3A_99, %get3A_100] : memref<1x8192xf32, #tpu.memory_space<vmem>>, vector<1x1024xf32>
    %add3A_102 = vector.broadcast %get3A_101 : vector<1x1024xf32> to vector<1024x1024xf32>
    %add3A_103 = arith.addf %sub3A_98, %add3A_102 : vector<1024x1024xf32>
    %reduce_min3A = arith.constant dense<0x7F800000> : vector<1024xf32>
    %reduce_min3A_104 = vector.multi_reduction <minimumf>, %add3A_103, %reduce_min3A [1] : vector<1024x1024xf32> to vector<1024xf32>
    %broadcast_in_dim3A_105 = vector.shape_cast %reduce_min3A_104 : vector<1024xf32> to vector<1024x1xf32>
    %eq3A_106 = vector.broadcast %broadcast_in_dim3A_105 : vector<1024x1xf32> to vector<1024x1024xf32>
    %eq3A_107 = arith.cmpf oeq, %add3A_103, %eq3A_106 : vector<1024x1024xf32>
    %get3A_108 = arith.constant 0 : index
    %get3A_109 = arith.constant 0 : index
    %get3A_110 = vector.load %arg14[%get3A_108, %get3A_109] : memref<1x8192xf32, #tpu.memory_space<vmem>>, vector<1x1024xf32>
    %jit3A = arith.constant 8.192000e+03 : f32
    %broadcast_in_dim3A_111 = vector.shape_cast %get3A_110 : vector<1x1024xf32> to vector<1x1024xf32>
    %broadcast_in_dim3A_112 = vector.broadcast %broadcast_in_dim3A_111 : vector<1x1024xf32> to vector<1024x1024xf32>
    %broadcast_in_dim3A_113 = vector.broadcast %jit3A : f32 to vector<1024x1024xf32>
    %select_n3A = arith.select %eq3A_107, %broadcast_in_dim3A_112, %broadcast_in_dim3A_113 : vector<1024x1024xi1>, vector<1024x1024xf32>
    %reduce_min3A_114 = arith.constant dense<0x7F800000> : vector<1024xf32>
    %reduce_min3A_115 = vector.multi_reduction <minimumf>, %select_n3A, %reduce_min3A_114 [1] : vector<1024x1024xf32> to vector<1024xf32>
    %broadcast_in_dim3A_116 = vector.shape_cast %reduce_min3A_115 : vector<1024xf32> to vector<1024x1xf32>
    %get3A_117 = arith.constant 0 : index
    %get3A_118 = arith.constant 1024 : index
    %get3A_119 = vector.load %arg10[%get3A_117, %get3A_118] : memref<256x8192xf32, #tpu.memory_space<vmem>>, vector<256x1024xf32>
    %dot_general3A_120 = arith.constant dense<0.000000e+00> : vector<1024x1024xf32>
    %dot_general3A_121 = tpu.matmul %add3A_82, %get3A_119, %dot_general3A_120 {dimension_numbers = #tpu.dot_dimension_numbers<[1], [0], [0], [1], [0, 0, 1, 1], [], []>, transpose_lhs_hint = false} : vector<1024x256xf32>, vector<256x1024xf32>, vector<1024x1024xf32> -> vector<1024x1024xf32>
    %sub3A_122 = vector.broadcast %mul3A_91 : vector<1024x1xf32> to vector<1024x1024xf32>
    %sub3A_123 = arith.subf %sub3A_122, %dot_general3A_121 : vector<1024x1024xf32>
    %get3A_124 = arith.constant 0 : index
    %get3A_125 = arith.constant 1024 : index
    %get3A_126 = vector.load %arg13[%get3A_124, %get3A_125] : memref<1x8192xf32, #tpu.memory_space<vmem>>, vector<1x1024xf32>
    %add3A_127 = vector.broadcast %get3A_126 : vector<1x1024xf32> to vector<1024x1024xf32>
    %add3A_128 = arith.addf %sub3A_123, %add3A_127 : vector<1024x1024xf32>
    %reduce_min3A_129 = arith.constant dense<0x7F800000> : vector<1024xf32>
    %reduce_min3A_130 = vector.multi_reduction <minimumf>, %add3A_128, %reduce_min3A_129 [1] : vector<1024x1024xf32> to vector<1024xf32>
    %broadcast_in_dim3A_131 = vector.shape_cast %reduce_min3A_130 : vector<1024xf32> to vector<1024x1xf32>
    %eq3A_132 = vector.broadcast %broadcast_in_dim3A_131 : vector<1024x1xf32> to vector<1024x1024xf32>
    %eq3A_133 = arith.cmpf oeq, %add3A_128, %eq3A_132 : vector<1024x1024xf32>
    %get3A_134 = arith.constant 0 : index
    %get3A_135 = arith.constant 1024 : index
    %get3A_136 = vector.load %arg14[%get3A_134, %get3A_135] : memref<1x8192xf32, #tpu.memory_space<vmem>>, vector<1x1024xf32>
    %jit3A_137 = arith.constant 8.192000e+03 : f32
    %broadcast_in_dim3A_138 = vector.shape_cast %get3A_136 : vector<1x1024xf32> to vector<1x1024xf32>
    %broadcast_in_dim3A_139 = vector.broadcast %broadcast_in_dim3A_138 : vector<1x1024xf32> to vector<1024x1024xf32>
    %broadcast_in_dim3A_140 = vector.broadcast %jit3A_137 : f32 to vector<1024x1024xf32>
    %select_n3A_141 = arith.select %eq3A_133, %broadcast_in_dim3A_139, %broadcast_in_dim3A_140 : vector<1024x1024xi1>, vector<1024x1024xf32>
    %reduce_min3A_142 = arith.constant dense<0x7F800000> : vector<1024xf32>
    %reduce_min3A_143 = vector.multi_reduction <minimumf>, %select_n3A_141, %reduce_min3A_142 [1] : vector<1024x1024xf32> to vector<1024xf32>
    %broadcast_in_dim3A_144 = vector.shape_cast %reduce_min3A_143 : vector<1024xf32> to vector<1024x1xf32>
    %lt3A = arith.cmpf olt, %broadcast_in_dim3A_131, %broadcast_in_dim3A_105 : vector<1024x1xf32>
    %select_n3A_145 = arith.select %lt3A, %broadcast_in_dim3A_144, %broadcast_in_dim3A_116 : vector<1024x1xi1>, vector<1024x1xf32>
    %select_n3A_146 = arith.select %lt3A, %broadcast_in_dim3A_131, %broadcast_in_dim3A_105 : vector<1024x1xi1>, vector<1024x1xf32>
    %get3A_147 = arith.constant 0 : index
    %get3A_148 = arith.constant 2048 : index
    %get3A_149 = vector.load %arg10[%get3A_147, %get3A_148] : memref<256x8192xf32, #tpu.memory_space<vmem>>, vector<256x1024xf32>
    %dot_general3A_150 = arith.constant dense<0.000000e+00> : vector<1024x1024xf32>
    %dot_general3A_151 = tpu.matmul %add3A_82, %get3A_149, %dot_general3A_150 {dimension_numbers = #tpu.dot_dimension_numbers<[1], [0], [0], [1], [0, 0, 1, 1], [], []>, transpose_lhs_hint = false} : vector<1024x256xf32>, vector<256x1024xf32>, vector<1024x1024xf32> -> vector<1024x1024xf32>
    %sub3A_152 = vector.broadcast %mul3A_91 : vector<1024x1xf32> to vector<1024x1024xf32>
    %sub3A_153 = arith.subf %sub3A_152, %dot_general3A_151 : vector<1024x1024xf32>
    %get3A_154 = arith.constant 0 : index
    %get3A_155 = arith.constant 2048 : index
    %get3A_156 = vector.load %arg13[%get3A_154, %get3A_155] : memref<1x8192xf32, #tpu.memory_space<vmem>>, vector<1x1024xf32>
    %add3A_157 = vector.broadcast %get3A_156 : vector<1x1024xf32> to vector<1024x1024xf32>
    %add3A_158 = arith.addf %sub3A_153, %add3A_157 : vector<1024x1024xf32>
    %reduce_min3A_159 = arith.constant dense<0x7F800000> : vector<1024xf32>
    %reduce_min3A_160 = vector.multi_reduction <minimumf>, %add3A_158, %reduce_min3A_159 [1] : vector<1024x1024xf32> to vector<1024xf32>
    %broadcast_in_dim3A_161 = vector.shape_cast %reduce_min3A_160 : vector<1024xf32> to vector<1024x1xf32>
    %eq3A_162 = vector.broadcast %broadcast_in_dim3A_161 : vector<1024x1xf32> to vector<1024x1024xf32>
    %eq3A_163 = arith.cmpf oeq, %add3A_158, %eq3A_162 : vector<1024x1024xf32>
    %get3A_164 = arith.constant 0 : index
    %get3A_165 = arith.constant 2048 : index
    %get3A_166 = vector.load %arg14[%get3A_164, %get3A_165] : memref<1x8192xf32, #tpu.memory_space<vmem>>, vector<1x1024xf32>
    %jit3A_167 = arith.constant 8.192000e+03 : f32
    %broadcast_in_dim3A_168 = vector.shape_cast %get3A_166 : vector<1x1024xf32> to vector<1x1024xf32>
    %broadcast_in_dim3A_169 = vector.broadcast %broadcast_in_dim3A_168 : vector<1x1024xf32> to vector<1024x1024xf32>
    %broadcast_in_dim3A_170 = vector.broadcast %jit3A_167 : f32 to vector<1024x1024xf32>
    %select_n3A_171 = arith.select %eq3A_163, %broadcast_in_dim3A_169, %broadcast_in_dim3A_170 : vector<1024x1024xi1>, vector<1024x1024xf32>
    %reduce_min3A_172 = arith.constant dense<0x7F800000> : vector<1024xf32>
    %reduce_min3A_173 = vector.multi_reduction <minimumf>, %select_n3A_171, %reduce_min3A_172 [1] : vector<1024x1024xf32> to vector<1024xf32>
    %broadcast_in_dim3A_174 = vector.shape_cast %reduce_min3A_173 : vector<1024xf32> to vector<1024x1xf32>
    %lt3A_175 = arith.cmpf olt, %broadcast_in_dim3A_161, %select_n3A_146 : vector<1024x1xf32>
    %select_n3A_176 = arith.select %lt3A_175, %broadcast_in_dim3A_174, %select_n3A_145 : vector<1024x1xi1>, vector<1024x1xf32>
    %select_n3A_177 = arith.select %lt3A_175, %broadcast_in_dim3A_161, %select_n3A_146 : vector<1024x1xi1>, vector<1024x1xf32>
    %get3A_178 = arith.constant 0 : index
    %get3A_179 = arith.constant 3072 : index
    %get3A_180 = vector.load %arg10[%get3A_178, %get3A_179] : memref<256x8192xf32, #tpu.memory_space<vmem>>, vector<256x1024xf32>
    %dot_general3A_181 = arith.constant dense<0.000000e+00> : vector<1024x1024xf32>
    %dot_general3A_182 = tpu.matmul %add3A_82, %get3A_180, %dot_general3A_181 {dimension_numbers = #tpu.dot_dimension_numbers<[1], [0], [0], [1], [0, 0, 1, 1], [], []>, transpose_lhs_hint = false} : vector<1024x256xf32>, vector<256x1024xf32>, vector<1024x1024xf32> -> vector<1024x1024xf32>
    %sub3A_183 = vector.broadcast %mul3A_91 : vector<1024x1xf32> to vector<1024x1024xf32>
    %sub3A_184 = arith.subf %sub3A_183, %dot_general3A_182 : vector<1024x1024xf32>
    %get3A_185 = arith.constant 0 : index
    %get3A_186 = arith.constant 3072 : index
    %get3A_187 = vector.load %arg13[%get3A_185, %get3A_186] : memref<1x8192xf32, #tpu.memory_space<vmem>>, vector<1x1024xf32>
    %add3A_188 = vector.broadcast %get3A_187 : vector<1x1024xf32> to vector<1024x1024xf32>
    %add3A_189 = arith.addf %sub3A_184, %add3A_188 : vector<1024x1024xf32>
    %reduce_min3A_190 = arith.constant dense<0x7F800000> : vector<1024xf32>
    %reduce_min3A_191 = vector.multi_reduction <minimumf>, %add3A_189, %reduce_min3A_190 [1] : vector<1024x1024xf32> to vector<1024xf32>
    %broadcast_in_dim3A_192 = vector.shape_cast %reduce_min3A_191 : vector<1024xf32> to vector<1024x1xf32>
    %eq3A_193 = vector.broadcast %broadcast_in_dim3A_192 : vector<1024x1xf32> to vector<1024x1024xf32>
    %eq3A_194 = arith.cmpf oeq, %add3A_189, %eq3A_193 : vector<1024x1024xf32>
    %get3A_195 = arith.constant 0 : index
    %get3A_196 = arith.constant 3072 : index
    %get3A_197 = vector.load %arg14[%get3A_195, %get3A_196] : memref<1x8192xf32, #tpu.memory_space<vmem>>, vector<1x1024xf32>
    %jit3A_198 = arith.constant 8.192000e+03 : f32
    %broadcast_in_dim3A_199 = vector.shape_cast %get3A_197 : vector<1x1024xf32> to vector<1x1024xf32>
    %broadcast_in_dim3A_200 = vector.broadcast %broadcast_in_dim3A_199 : vector<1x1024xf32> to vector<1024x1024xf32>
    %broadcast_in_dim3A_201 = vector.broadcast %jit3A_198 : f32 to vector<1024x1024xf32>
    %select_n3A_202 = arith.select %eq3A_194, %broadcast_in_dim3A_200, %broadcast_in_dim3A_201 : vector<1024x1024xi1>, vector<1024x1024xf32>
    %reduce_min3A_203 = arith.constant dense<0x7F800000> : vector<1024xf32>
    %reduce_min3A_204 = vector.multi_reduction <minimumf>, %select_n3A_202, %reduce_min3A_203 [1] : vector<1024x1024xf32> to vector<1024xf32>
    %broadcast_in_dim3A_205 = vector.shape_cast %reduce_min3A_204 : vector<1024xf32> to vector<1024x1xf32>
    %lt3A_206 = arith.cmpf olt, %broadcast_in_dim3A_192, %select_n3A_177 : vector<1024x1xf32>
    %select_n3A_207 = arith.select %lt3A_206, %broadcast_in_dim3A_205, %select_n3A_176 : vector<1024x1xi1>, vector<1024x1xf32>
    %select_n3A_208 = arith.select %lt3A_206, %broadcast_in_dim3A_192, %select_n3A_177 : vector<1024x1xi1>, vector<1024x1xf32>
    %get3A_209 = arith.constant 0 : index
    %get3A_210 = arith.constant 4096 : index
    %get3A_211 = vector.load %arg10[%get3A_209, %get3A_210] : memref<256x8192xf32, #tpu.memory_space<vmem>>, vector<256x1024xf32>
    %dot_general3A_212 = arith.constant dense<0.000000e+00> : vector<1024x1024xf32>
    %dot_general3A_213 = tpu.matmul %add3A_82, %get3A_211, %dot_general3A_212 {dimension_numbers = #tpu.dot_dimension_numbers<[1], [0], [0], [1], [0, 0, 1, 1], [], []>, transpose_lhs_hint = false} : vector<1024x256xf32>, vector<256x1024xf32>, vector<1024x1024xf32> -> vector<1024x1024xf32>
    %sub3A_214 = vector.broadcast %mul3A_91 : vector<1024x1xf32> to vector<1024x1024xf32>
    %sub3A_215 = arith.subf %sub3A_214, %dot_general3A_213 : vector<1024x1024xf32>
    %get3A_216 = arith.constant 0 : index
    %get3A_217 = arith.constant 4096 : index
    %get3A_218 = vector.load %arg13[%get3A_216, %get3A_217] : memref<1x8192xf32, #tpu.memory_space<vmem>>, vector<1x1024xf32>
    %add3A_219 = vector.broadcast %get3A_218 : vector<1x1024xf32> to vector<1024x1024xf32>
    %add3A_220 = arith.addf %sub3A_215, %add3A_219 : vector<1024x1024xf32>
    %reduce_min3A_221 = arith.constant dense<0x7F800000> : vector<1024xf32>
    %reduce_min3A_222 = vector.multi_reduction <minimumf>, %add3A_220, %reduce_min3A_221 [1] : vector<1024x1024xf32> to vector<1024xf32>
    %broadcast_in_dim3A_223 = vector.shape_cast %reduce_min3A_222 : vector<1024xf32> to vector<1024x1xf32>
    %eq3A_224 = vector.broadcast %broadcast_in_dim3A_223 : vector<1024x1xf32> to vector<1024x1024xf32>
    %eq3A_225 = arith.cmpf oeq, %add3A_220, %eq3A_224 : vector<1024x1024xf32>
    %get3A_226 = arith.constant 0 : index
    %get3A_227 = arith.constant 4096 : index
    %get3A_228 = vector.load %arg14[%get3A_226, %get3A_227] : memref<1x8192xf32, #tpu.memory_space<vmem>>, vector<1x1024xf32>
    %jit3A_229 = arith.constant 8.192000e+03 : f32
    %broadcast_in_dim3A_230 = vector.shape_cast %get3A_228 : vector<1x1024xf32> to vector<1x1024xf32>
    %broadcast_in_dim3A_231 = vector.broadcast %broadcast_in_dim3A_230 : vector<1x1024xf32> to vector<1024x1024xf32>
    %broadcast_in_dim3A_232 = vector.broadcast %jit3A_229 : f32 to vector<1024x1024xf32>
    %select_n3A_233 = arith.select %eq3A_225, %broadcast_in_dim3A_231, %broadcast_in_dim3A_232 : vector<1024x1024xi1>, vector<1024x1024xf32>
    %reduce_min3A_234 = arith.constant dense<0x7F800000> : vector<1024xf32>
    %reduce_min3A_235 = vector.multi_reduction <minimumf>, %select_n3A_233, %reduce_min3A_234 [1] : vector<1024x1024xf32> to vector<1024xf32>
    %broadcast_in_dim3A_236 = vector.shape_cast %reduce_min3A_235 : vector<1024xf32> to vector<1024x1xf32>
    %lt3A_237 = arith.cmpf olt, %broadcast_in_dim3A_223, %select_n3A_208 : vector<1024x1xf32>
    %select_n3A_238 = arith.select %lt3A_237, %broadcast_in_dim3A_236, %select_n3A_207 : vector<1024x1xi1>, vector<1024x1xf32>
    %select_n3A_239 = arith.select %lt3A_237, %broadcast_in_dim3A_223, %select_n3A_208 : vector<1024x1xi1>, vector<1024x1xf32>
    %get3A_240 = arith.constant 0 : index
    %get3A_241 = arith.constant 5120 : index
    %get3A_242 = vector.load %arg10[%get3A_240, %get3A_241] : memref<256x8192xf32, #tpu.memory_space<vmem>>, vector<256x1024xf32>
    %dot_general3A_243 = arith.constant dense<0.000000e+00> : vector<1024x1024xf32>
    %dot_general3A_244 = tpu.matmul %add3A_82, %get3A_242, %dot_general3A_243 {dimension_numbers = #tpu.dot_dimension_numbers<[1], [0], [0], [1], [0, 0, 1, 1], [], []>, transpose_lhs_hint = false} : vector<1024x256xf32>, vector<256x1024xf32>, vector<1024x1024xf32> -> vector<1024x1024xf32>
    %sub3A_245 = vector.broadcast %mul3A_91 : vector<1024x1xf32> to vector<1024x1024xf32>
    %sub3A_246 = arith.subf %sub3A_245, %dot_general3A_244 : vector<1024x1024xf32>
    %get3A_247 = arith.constant 0 : index
    %get3A_248 = arith.constant 5120 : index
    %get3A_249 = vector.load %arg13[%get3A_247, %get3A_248] : memref<1x8192xf32, #tpu.memory_space<vmem>>, vector<1x1024xf32>
    %add3A_250 = vector.broadcast %get3A_249 : vector<1x1024xf32> to vector<1024x1024xf32>
    %add3A_251 = arith.addf %sub3A_246, %add3A_250 : vector<1024x1024xf32>
    %reduce_min3A_252 = arith.constant dense<0x7F800000> : vector<1024xf32>
    %reduce_min3A_253 = vector.multi_reduction <minimumf>, %add3A_251, %reduce_min3A_252 [1] : vector<1024x1024xf32> to vector<1024xf32>
    %broadcast_in_dim3A_254 = vector.shape_cast %reduce_min3A_253 : vector<1024xf32> to vector<1024x1xf32>
    %eq3A_255 = vector.broadcast %broadcast_in_dim3A_254 : vector<1024x1xf32> to vector<1024x1024xf32>
    %eq3A_256 = arith.cmpf oeq, %add3A_251, %eq3A_255 : vector<1024x1024xf32>
    %get3A_257 = arith.constant 0 : index
    %get3A_258 = arith.constant 5120 : index
    %get3A_259 = vector.load %arg14[%get3A_257, %get3A_258] : memref<1x8192xf32, #tpu.memory_space<vmem>>, vector<1x1024xf32>
    %jit3A_260 = arith.constant 8.192000e+03 : f32
    %broadcast_in_dim3A_261 = vector.shape_cast %get3A_259 : vector<1x1024xf32> to vector<1x1024xf32>
    %broadcast_in_dim3A_262 = vector.broadcast %broadcast_in_dim3A_261 : vector<1x1024xf32> to vector<1024x1024xf32>
    %broadcast_in_dim3A_263 = vector.broadcast %jit3A_260 : f32 to vector<1024x1024xf32>
    %select_n3A_264 = arith.select %eq3A_256, %broadcast_in_dim3A_262, %broadcast_in_dim3A_263 : vector<1024x1024xi1>, vector<1024x1024xf32>
    %reduce_min3A_265 = arith.constant dense<0x7F800000> : vector<1024xf32>
    %reduce_min3A_266 = vector.multi_reduction <minimumf>, %select_n3A_264, %reduce_min3A_265 [1] : vector<1024x1024xf32> to vector<1024xf32>
    %broadcast_in_dim3A_267 = vector.shape_cast %reduce_min3A_266 : vector<1024xf32> to vector<1024x1xf32>
    %lt3A_268 = arith.cmpf olt, %broadcast_in_dim3A_254, %select_n3A_239 : vector<1024x1xf32>
    %select_n3A_269 = arith.select %lt3A_268, %broadcast_in_dim3A_267, %select_n3A_238 : vector<1024x1xi1>, vector<1024x1xf32>
    %select_n3A_270 = arith.select %lt3A_268, %broadcast_in_dim3A_254, %select_n3A_239 : vector<1024x1xi1>, vector<1024x1xf32>
    %get3A_271 = arith.constant 0 : index
    %get3A_272 = arith.constant 6144 : index
    %get3A_273 = vector.load %arg10[%get3A_271, %get3A_272] : memref<256x8192xf32, #tpu.memory_space<vmem>>, vector<256x1024xf32>
    %dot_general3A_274 = arith.constant dense<0.000000e+00> : vector<1024x1024xf32>
    %dot_general3A_275 = tpu.matmul %add3A_82, %get3A_273, %dot_general3A_274 {dimension_numbers = #tpu.dot_dimension_numbers<[1], [0], [0], [1], [0, 0, 1, 1], [], []>, transpose_lhs_hint = false} : vector<1024x256xf32>, vector<256x1024xf32>, vector<1024x1024xf32> -> vector<1024x1024xf32>
    %sub3A_276 = vector.broadcast %mul3A_91 : vector<1024x1xf32> to vector<1024x1024xf32>
    %sub3A_277 = arith.subf %sub3A_276, %dot_general3A_275 : vector<1024x1024xf32>
    %get3A_278 = arith.constant 0 : index
    %get3A_279 = arith.constant 6144 : index
    %get3A_280 = vector.load %arg13[%get3A_278, %get3A_279] : memref<1x8192xf32, #tpu.memory_space<vmem>>, vector<1x1024xf32>
    %add3A_281 = vector.broadcast %get3A_280 : vector<1x1024xf32> to vector<1024x1024xf32>
    %add3A_282 = arith.addf %sub3A_277, %add3A_281 : vector<1024x1024xf32>
    %reduce_min3A_283 = arith.constant dense<0x7F800000> : vector<1024xf32>
    %reduce_min3A_284 = vector.multi_reduction <minimumf>, %add3A_282, %reduce_min3A_283 [1] : vector<1024x1024xf32> to vector<1024xf32>
    %broadcast_in_dim3A_285 = vector.shape_cast %reduce_min3A_284 : vector<1024xf32> to vector<1024x1xf32>
    %eq3A_286 = vector.broadcast %broadcast_in_dim3A_285 : vector<1024x1xf32> to vector<1024x1024xf32>
    %eq3A_287 = arith.cmpf oeq, %add3A_282, %eq3A_286 : vector<1024x1024xf32>
    %get3A_288 = arith.constant 0 : index
    %get3A_289 = arith.constant 6144 : index
    %get3A_290 = vector.load %arg14[%get3A_288, %get3A_289] : memref<1x8192xf32, #tpu.memory_space<vmem>>, vector<1x1024xf32>
    %jit3A_291 = arith.constant 8.192000e+03 : f32
    %broadcast_in_dim3A_292 = vector.shape_cast %get3A_290 : vector<1x1024xf32> to vector<1x1024xf32>
    %broadcast_in_dim3A_293 = vector.broadcast %broadcast_in_dim3A_292 : vector<1x1024xf32> to vector<1024x1024xf32>
    %broadcast_in_dim3A_294 = vector.broadcast %jit3A_291 : f32 to vector<1024x1024xf32>
    %select_n3A_295 = arith.select %eq3A_287, %broadcast_in_dim3A_293, %broadcast_in_dim3A_294 : vector<1024x1024xi1>, vector<1024x1024xf32>
    %reduce_min3A_296 = arith.constant dense<0x7F800000> : vector<1024xf32>
    %reduce_min3A_297 = vector.multi_reduction <minimumf>, %select_n3A_295, %reduce_min3A_296 [1] : vector<1024x1024xf32> to vector<1024xf32>
    %broadcast_in_dim3A_298 = vector.shape_cast %reduce_min3A_297 : vector<1024xf32> to vector<1024x1xf32>
    %lt3A_299 = arith.cmpf olt, %broadcast_in_dim3A_285, %select_n3A_270 : vector<1024x1xf32>
    %select_n3A_300 = arith.select %lt3A_299, %broadcast_in_dim3A_298, %select_n3A_269 : vector<1024x1xi1>, vector<1024x1xf32>
    %select_n3A_301 = arith.select %lt3A_299, %broadcast_in_dim3A_285, %select_n3A_270 : vector<1024x1xi1>, vector<1024x1xf32>
    %get3A_302 = arith.constant 0 : index
    %get3A_303 = arith.constant 7168 : index
    %get3A_304 = vector.load %arg10[%get3A_302, %get3A_303] : memref<256x8192xf32, #tpu.memory_space<vmem>>, vector<256x1024xf32>
    %dot_general3A_305 = arith.constant dense<0.000000e+00> : vector<1024x1024xf32>
    %dot_general3A_306 = tpu.matmul %add3A_82, %get3A_304, %dot_general3A_305 {dimension_numbers = #tpu.dot_dimension_numbers<[1], [0], [0], [1], [0, 0, 1, 1], [], []>, transpose_lhs_hint = false} : vector<1024x256xf32>, vector<256x1024xf32>, vector<1024x1024xf32> -> vector<1024x1024xf32>
    %sub3A_307 = vector.broadcast %mul3A_91 : vector<1024x1xf32> to vector<1024x1024xf32>
    %sub3A_308 = arith.subf %sub3A_307, %dot_general3A_306 : vector<1024x1024xf32>
    %get3A_309 = arith.constant 0 : index
    %get3A_310 = arith.constant 7168 : index
    %get3A_311 = vector.load %arg13[%get3A_309, %get3A_310] : memref<1x8192xf32, #tpu.memory_space<vmem>>, vector<1x1024xf32>
    %add3A_312 = vector.broadcast %get3A_311 : vector<1x1024xf32> to vector<1024x1024xf32>
    %add3A_313 = arith.addf %sub3A_308, %add3A_312 : vector<1024x1024xf32>
    %reduce_min3A_314 = arith.constant dense<0x7F800000> : vector<1024xf32>
    %reduce_min3A_315 = vector.multi_reduction <minimumf>, %add3A_313, %reduce_min3A_314 [1] : vector<1024x1024xf32> to vector<1024xf32>
    %broadcast_in_dim3A_316 = vector.shape_cast %reduce_min3A_315 : vector<1024xf32> to vector<1024x1xf32>
    %eq3A_317 = vector.broadcast %broadcast_in_dim3A_316 : vector<1024x1xf32> to vector<1024x1024xf32>
    %eq3A_318 = arith.cmpf oeq, %add3A_313, %eq3A_317 : vector<1024x1024xf32>
    %get3A_319 = arith.constant 0 : index
    %get3A_320 = arith.constant 7168 : index
    %get3A_321 = vector.load %arg14[%get3A_319, %get3A_320] : memref<1x8192xf32, #tpu.memory_space<vmem>>, vector<1x1024xf32>
    %jit3A_322 = arith.constant 8.192000e+03 : f32
    %broadcast_in_dim3A_323 = vector.shape_cast %get3A_321 : vector<1x1024xf32> to vector<1x1024xf32>
    %broadcast_in_dim3A_324 = vector.broadcast %broadcast_in_dim3A_323 : vector<1x1024xf32> to vector<1024x1024xf32>
    %broadcast_in_dim3A_325 = vector.broadcast %jit3A_322 : f32 to vector<1024x1024xf32>
    %select_n3A_326 = arith.select %eq3A_318, %broadcast_in_dim3A_324, %broadcast_in_dim3A_325 : vector<1024x1024xi1>, vector<1024x1024xf32>
    %reduce_min3A_327 = arith.constant dense<0x7F800000> : vector<1024xf32>
    %reduce_min3A_328 = vector.multi_reduction <minimumf>, %select_n3A_326, %reduce_min3A_327 [1] : vector<1024x1024xf32> to vector<1024xf32>
    %broadcast_in_dim3A_329 = vector.shape_cast %reduce_min3A_328 : vector<1024xf32> to vector<1024x1xf32>
    %lt3A_330 = arith.cmpf olt, %broadcast_in_dim3A_316, %select_n3A_301 : vector<1024x1xf32>
    %select_n3A_331 = arith.select %lt3A_330, %broadcast_in_dim3A_329, %select_n3A_300 : vector<1024x1xi1>, vector<1024x1xf32>
    %convert_element_type3A_332 = arith.fptosi %select_n3A_331 : vector<1024x1xf32> to vector<1024x1xi32>
    %swap3A_333 = arith.constant 0 : index
    %swap3A_334 = arith.constant 0 : index
    %swap3A_335 = vector.load %arg12[%swap3A_333, %swap3A_334] : memref<1024x1xi32, #tpu.memory_space<vmem>>, vector<1024x1xi32>
    tpu.vector_store %arg12[%swap3A_333, %swap3A_334], %convert_element_type3A_332 {strides = array<i32>} : memref<1024x1xi32, #tpu.memory_space<vmem>>, vector<1024x1xi32>,
    return
  }
  func.func @transform_0(%arg0: i32) -> (i32, i32) {
    %c0_i32 = arith.constant 0 : i32
    %c0_i32_0 = arith.constant 0 : i32
    return %arg0, %c0_i32 : i32, i32
  }
  func.func @transform_1(%arg0: i32) -> (i32, i32) {
    %c0_i32 = arith.constant 0 : i32
    %c0_i32_0 = arith.constant 0 : i32
    %c0_i32_1 = arith.constant 0 : i32
    return %c0_i32, %c0_i32_0 : i32, i32
  }
  func.func @transform_2(%arg0: i32) -> (i32, i32) {
    %c0_i32 = arith.constant 0 : i32
    %c0_i32_0 = arith.constant 0 : i32
    %c0_i32_1 = arith.constant 0 : i32
    return %c0_i32, %c0_i32_0 : i32, i32
  }
  func.func @transform_3(%arg0: i32) -> (i32, i32) {
    %c0_i32 = arith.constant 0 : i32
    %c0_i32_0 = arith.constant 0 : i32
    %c0_i32_1 = arith.constant 0 : i32
    return %c0_i32, %c0_i32_0 : i32, i32
  }
  func.func @transform_4(%arg0: i32) -> (i32, i32) {
    %c0_i32 = arith.constant 0 : i32
    %c0_i32_0 = arith.constant 0 : i32
    %c0_i32_1 = arith.constant 0 : i32
    return %c0_i32, %c0_i32_0 : i32, i32
  }
  func.func @transform_5(%arg0: i32) -> (i32, i32) {
    %c0_i32 = arith.constant 0 : i32
    %c0_i32_0 = arith.constant 0 : i32
    %c0_i32_1 = arith.constant 0 : i32
    return %c0_i32, %c0_i32_0 : i32, i32
  }
  func.func @transform_6(%arg0: i32) -> (i32, i32) {
    %c0_i32 = arith.constant 0 : i32
    %c0_i32_0 = arith.constant 0 : i32
    %c0_i32_1 = arith.constant 0 : i32
    return %c0_i32, %c0_i32_0 : i32, i32
  }
  func.func @transform_7(%arg0: i32) -> (i32, i32) {
    %c0_i32 = arith.constant 0 : i32
    %c0_i32_0 = arith.constant 0 : i32
    %c0_i32_1 = arith.constant 0 : i32
    return %c0_i32, %c0_i32_0 : i32, i32
  }
  func.func @transform_8(%arg0: i32) -> (i32, i32) {
    %c0_i32 = arith.constant 0 : i32
    %c0_i32_0 = arith.constant 0 : i32
    %c0_i32_1 = arith.constant 0 : i32
    return %c0_i32, %c0_i32_0 : i32, i32
  }
  func.func @transform_9(%arg0: i32) -> (i32, i32) {
    %c0_i32 = arith.constant 0 : i32
    %c0_i32_0 = arith.constant 0 : i32
    %c0_i32_1 = arith.constant 0 : i32
    return %c0_i32, %c0_i32_0 : i32, i32
  }
  func.func @transform_10(%arg0: i32) -> (i32, i32) {
    %c0_i32 = arith.constant 0 : i32
    %c0_i32_0 = arith.constant 0 : i32
    return %arg0, %c0_i32 : i32, i32
  }
  func.func @transform_11(%arg0: i32) -> (i32, i32) {
    %c0_i32 = arith.constant 0 : i32
    %c0_i32_0 = arith.constant 0 : i32
    return %arg0, %c0_i32 : i32, i32
  }
}

module attributes {stable_mosaic.version = 14 : i64} {
  func.func @_enc_vq_body(%arg0: i32, %arg1: memref<1024x768xf32, #tpu.memory_space<vmem>>, %arg2: memref<768x512xf32, #tpu.memory_space<vmem>>, %arg3: memref<1x512xf32, #tpu.memory_space<vmem>>, %arg4: memref<1x512xf32, #tpu.memory_space<vmem>>, %arg5: memref<1x512xf32, #tpu.memory_space<vmem>>, %arg6: memref<512x256xf32, #tpu.memory_space<vmem>>, %arg7: memref<1x256xf32, #tpu.memory_space<vmem>>, %arg8: memref<1x256xf32, #tpu.memory_space<vmem>>, %arg9: memref<1x256xf32, #tpu.memory_space<vmem>>, %arg10: memref<256x8192xf32, #tpu.memory_space<vmem>>, %arg11: memref<1024x256xf32, #tpu.memory_space<vmem>>, %arg12: memref<1024x1xi32, #tpu.memory_space<vmem>>, %arg13: memref<1x8192xf32, #tpu.memory_space<vmem>>, %arg14: memref<1x8192xf32, #tpu.memory_space<vmem>>) attributes {dimension_semantics = [#tpu.dimension_semantics<arbitrary>], iteration_bounds = array<i64: 8>, scalar_prefetch = 0 : i64, scratch_operands = 2 : i64, tpu.core_type = #tpu.core_type<tc>, window_params = [{transform_indices = @transform_0, window_bounds = array<i64: 1024, 768>}, {pipeline_mode = #tpu.pipeline_mode<synchronous>, transform_indices = @transform_1, window_bounds = array<i64: 768, 512>}, {pipeline_mode = #tpu.pipeline_mode<synchronous>, transform_indices = @transform_2, window_bounds = array<i64: 1, 512>}, {pipeline_mode = #tpu.pipeline_mode<synchronous>, transform_indices = @transform_3, window_bounds = array<i64: 1, 512>}, {pipeline_mode = #tpu.pipeline_mode<synchronous>, transform_indices = @transform_4, window_bounds = array<i64: 1, 512>}, {pipeline_mode = #tpu.pipeline_mode<synchronous>, transform_indices = @transform_5, window_bounds = array<i64: 512, 256>}, {pipeline_mode = #tpu.pipeline_mode<synchronous>, transform_indices = @transform_6, window_bounds = array<i64: 1, 256>}, {pipeline_mode = #tpu.pipeline_mode<synchronous>, transform_indices = @transform_7, window_bounds = array<i64: 1, 256>}, {pipeline_mode = #tpu.pipeline_mode<synchronous>, transform_indices = @transform_8, window_bounds = array<i64: 1, 256>}, {pipeline_mode = #tpu.pipeline_mode<synchronous>, transform_indices = @transform_9, window_bounds = array<i64: 256, 8192>}, {transform_indices = @transform_10, window_bounds = array<i64: 1024, 256>}, {transform_indices = @transform_11, window_bounds = array<i64: 1024, 1>}]} {
    %eq3A = arith.constant 0 : i32
    %eq3A_0 = arith.cmpi eq, %arg0, %eq3A : i32
    %convert_element_type3A = arith.extui %eq3A_0 : i1 to i32
    %cond3A = arith.constant 0 : i32
    %cond3A_1 = arith.cmpi ne, %convert_element_type3A, %cond3A : i32
    scf.if %cond3A_1 {
      %get3A_336 = arith.constant 0 : index
      %get3A_337 = arith.constant 0 : index
      %get3A_338 = vector.load %arg10[%get3A_336, %get3A_337] : memref<256x8192xf32, #tpu.memory_space<vmem>>, vector<256x8192xf32>
      %broadcast_in_dim3A_339 = arith.constant 1.000000e+00 : f32
      %broadcast_in_dim3A_340 = vector.broadcast %broadcast_in_dim3A_339 : f32 to vector<1x256xf32>
      %mul3A_341 = arith.mulf %get3A_338, %get3A_338 : vector<256x8192xf32>
      %dot_general3A_342 = arith.constant dense<0.000000e+00> : vector<1x8192xf32>
      %dot_general3A_343 = tpu.matmul %broadcast_in_dim3A_340, %mul3A_341, %dot_general3A_342 {dimension_numbers = #tpu.dot_dimension_numbers<[1], [0], [0], [1], [0, 0, 1, 1], [], []>, transpose_lhs_hint = false} : vector<1x256xf32>, vector<256x8192xf32>, vector<1x8192xf32> -> vector<1x8192xf32>
      %mul3A_344 = arith.constant 5.000000e-01 : f32
      %mul3A_345 = vector.broadcast %mul3A_344 : f32 to vector<1x8192xf32>
      %mul3A_346 = arith.mulf %mul3A_345, %dot_general3A_343 : vector<1x8192xf32>
      %swap3A_347 = arith.constant 0 : index
      %swap3A_348 = arith.constant 0 : index
      %swap3A_349 = vector.load %arg13[%swap3A_347, %swap3A_348] : memref<1x8192xf32, #tpu.memory_space<vmem>>, vector<1x8192xf32>
      tpu.vector_store %arg13[%swap3A_347, %swap3A_348], %mul3A_346 {strides = array<i32>} : memref<1x8192xf32, #tpu.memory_space<vmem>>, vector<1x8192xf32>,
      %iota3A = tpu.iota {dimensions = array<i32: 1>} : vector<1x8192xi32>
      %convert_element_type3A_350 = arith.sitofp %iota3A : vector<1x8192xi32> to vector<1x8192xf32>
      %swap3A_351 = arith.constant 0 : index
      %swap3A_352 = arith.constant 0 : index
      %swap3A_353 = vector.load %arg14[%swap3A_351, %swap3A_352] : memref<1x8192xf32, #tpu.memory_space<vmem>>, vector<1x8192xf32>
      tpu.vector_store %arg14[%swap3A_351, %swap3A_352], %convert_element_type3A_350 {strides = array<i32>} : memref<1x8192xf32, #tpu.memory_space<vmem>>, vector<1x8192xf32>,
    } else {
    }
    %get3A = arith.constant 0 : index
    %get3A_2 = arith.constant 0 : index
    %get3A_3 = vector.load %arg1[%get3A, %get3A_2] : memref<1024x768xf32, #tpu.memory_space<vmem>>, vector<1024x768xf32>
    %get3A_4 = arith.constant 0 : index
    %get3A_5 = arith.constant 0 : index
    %get3A_6 = vector.load %arg2[%get3A_4, %get3A_5] : memref<768x512xf32, #tpu.memory_space<vmem>>, vector<768x512xf32>
    %dot_general3A = arith.constant dense<0.000000e+00> : vector<1024x512xf32>
    %dot_general3A_7 = tpu.matmul %get3A_3, %get3A_6, %dot_general3A {dimension_numbers = #tpu.dot_dimension_numbers<[1], [0], [0], [1], [0, 0, 1, 1], [], []>, transpose_lhs_hint = false} : vector<1024x768xf32>, vector<768x512xf32>, vector<1024x512xf32> -> vector<1024x512xf32>
    %get3A_8 = arith.constant 0 : index
    %get3A_9 = arith.constant 0 : index
    %get3A_10 = vector.load %arg3[%get3A_8, %get3A_9] : memref<1x512xf32, #tpu.memory_space<vmem>>, vector<1x512xf32>
    %add3A = vector.broadcast %get3A_10 : vector<1x512xf32> to vector<1024x512xf32>
    %add3A_11 = arith.addf %dot_general3A_7, %add3A : vector<1024x512xf32>
    %get3A_12 = arith.constant 0 : index
    %get3A_13 = arith.constant 0 : index
    %get3A_14 = vector.load %arg4[%get3A_12, %get3A_13] : memref<1x512xf32, #tpu.memory_space<vmem>>, vector<1x512xf32>
    %get3A_15 = arith.constant 0 : index
    %get3A_16 = arith.constant 0 : index
    %get3A_17 = vector.load %arg5[%get3A_15, %get3A_16] : memref<1x512xf32, #tpu.memory_space<vmem>>, vector<1x512xf32>
    %reduce_sum3A = arith.constant dense<0.000000e+00> : vector<1024xf32>
    %reduce_sum3A_18 = vector.multi_reduction <add>, %add3A_11, %reduce_sum3A [1] : vector<1024x512xf32> to vector<1024xf32>
    %broadcast_in_dim3A = vector.shape_cast %reduce_sum3A_18 : vector<1024xf32> to vector<1024x1xf32>
    %div3A = arith.constant 5.120000e+02 : f32
    %div3A_19 = vector.broadcast %div3A : f32 to vector<1024x1xf32>
    %div3A_20 = arith.divf %broadcast_in_dim3A, %div3A_19 : vector<1024x1xf32>
    %sub3A = vector.broadcast %div3A_20 : vector<1024x1xf32> to vector<1024x512xf32>
    %sub3A_21 = arith.subf %add3A_11, %sub3A : vector<1024x512xf32>
    %integer_pow3A = arith.mulf %sub3A_21, %sub3A_21 : vector<1024x512xf32>
    %reduce_sum3A_22 = arith.constant dense<0.000000e+00> : vector<1024xf32>
    %reduce_sum3A_23 = vector.multi_reduction <add>, %integer_pow3A, %reduce_sum3A_22 [1] : vector<1024x512xf32> to vector<1024xf32>
    %broadcast_in_dim3A_24 = vector.shape_cast %reduce_sum3A_23 : vector<1024xf32> to vector<1024x1xf32>
    %div3A_25 = arith.constant 5.120000e+02 : f32
    %div3A_26 = vector.broadcast %div3A_25 : f32 to vector<1024x1xf32>
    %div3A_27 = arith.divf %broadcast_in_dim3A_24, %div3A_26 : vector<1024x1xf32>
    %sub3A_28 = vector.broadcast %div3A_20 : vector<1024x1xf32> to vector<1024x512xf32>
    %sub3A_29 = arith.subf %add3A_11, %sub3A_28 : vector<1024x512xf32>
    %add3A_30 = arith.constant 9.99999974E-6 : f32
    %add3A_31 = vector.broadcast %add3A_30 : f32 to vector<1024x1xf32>
    %add3A_32 = arith.addf %div3A_27, %add3A_31 : vector<1024x1xf32>
    %sqrt3A = math.sqrt %add3A_32 : vector<1024x1xf32>
    %div3A_33 = vector.broadcast %sqrt3A : vector<1024x1xf32> to vector<1024x512xf32>
    %div3A_34 = arith.divf %sub3A_29, %div3A_33 : vector<1024x512xf32>
    %mul3A = vector.broadcast %get3A_14 : vector<1x512xf32> to vector<1024x512xf32>
    %mul3A_35 = arith.mulf %div3A_34, %mul3A : vector<1024x512xf32>
    %add3A_36 = vector.broadcast %get3A_17 : vector<1x512xf32> to vector<1024x512xf32>
    %add3A_37 = arith.addf %mul3A_35, %add3A_36 : vector<1024x512xf32>
    %max3A = arith.constant 0.000000e+00 : f32
    %max3A_38 = vector.broadcast %max3A : f32 to vector<1024x512xf32>
    %max3A_39 = arith.maximumf %add3A_37, %max3A_38 : vector<1024x512xf32>
    %get3A_40 = arith.constant 0 : index
    %get3A_41 = arith.constant 0 : index
    %get3A_42 = vector.load %arg6[%get3A_40, %get3A_41] : memref<512x256xf32, #tpu.memory_space<vmem>>, vector<512x256xf32>
    %dot_general3A_43 = arith.constant dense<0.000000e+00> : vector<1024x256xf32>
    %dot_general3A_44 = tpu.matmul %max3A_39, %get3A_42, %dot_general3A_43 {dimension_numbers = #tpu.dot_dimension_numbers<[1], [0], [0], [1], [0, 0, 1, 1], [], []>, transpose_lhs_hint = false} : vector<1024x512xf32>, vector<512x256xf32>, vector<1024x256xf32> -> vector<1024x256xf32>
    %get3A_45 = arith.constant 0 : index
    %get3A_46 = arith.constant 0 : index
    %get3A_47 = vector.load %arg7[%get3A_45, %get3A_46] : memref<1x256xf32, #tpu.memory_space<vmem>>, vector<1x256xf32>
    %add3A_48 = vector.broadcast %get3A_47 : vector<1x256xf32> to vector<1024x256xf32>
    %add3A_49 = arith.addf %dot_general3A_44, %add3A_48 : vector<1024x256xf32>
    %get3A_50 = arith.constant 0 : index
    %get3A_51 = arith.constant 0 : index
    %get3A_52 = vector.load %arg8[%get3A_50, %get3A_51] : memref<1x256xf32, #tpu.memory_space<vmem>>, vector<1x256xf32>
    %get3A_53 = arith.constant 0 : index
    %get3A_54 = arith.constant 0 : index
    %get3A_55 = vector.load %arg9[%get3A_53, %get3A_54] : memref<1x256xf32, #tpu.memory_space<vmem>>, vector<1x256xf32>
    %reduce_sum3A_56 = arith.constant dense<0.000000e+00> : vector<1024xf32>
    %reduce_sum3A_57 = vector.multi_reduction <add>, %add3A_49, %reduce_sum3A_56 [1] : vector<1024x256xf32> to vector<1024xf32>
    %broadcast_in_dim3A_58 = vector.shape_cast %reduce_sum3A_57 : vector<1024xf32> to vector<1024x1xf32>
    %div3A_59 = arith.constant 2.560000e+02 : f32
    %div3A_60 = vector.broadcast %div3A_59 : f32 to vector<1024x1xf32>
    %div3A_61 = arith.divf %broadcast_in_dim3A_58, %div3A_60 : vector<1024x1xf32>
    %sub3A_62 = vector.broadcast %div3A_61 : vector<1024x1xf32> to vector<1024x256xf32>
    %sub3A_63 = arith.subf %add3A_49, %sub3A_62 : vector<1024x256xf32>
    %integer_pow3A_64 = arith.mulf %sub3A_63, %sub3A_63 : vector<1024x256xf32>
    %reduce_sum3A_65 = arith.constant dense<0.000000e+00> : vector<1024xf32>
    %reduce_sum3A_66 = vector.multi_reduction <add>, %integer_pow3A_64, %reduce_sum3A_65 [1] : vector<1024x256xf32> to vector<1024xf32>
    %broadcast_in_dim3A_67 = vector.shape_cast %reduce_sum3A_66 : vector<1024xf32> to vector<1024x1xf32>
    %div3A_68 = arith.constant 2.560000e+02 : f32
    %div3A_69 = vector.broadcast %div3A_68 : f32 to vector<1024x1xf32>
    %div3A_70 = arith.divf %broadcast_in_dim3A_67, %div3A_69 : vector<1024x1xf32>
    %sub3A_71 = vector.broadcast %div3A_61 : vector<1024x1xf32> to vector<1024x256xf32>
    %sub3A_72 = arith.subf %add3A_49, %sub3A_71 : vector<1024x256xf32>
    %add3A_73 = arith.constant 9.99999974E-6 : f32
    %add3A_74 = vector.broadcast %add3A_73 : f32 to vector<1024x1xf32>
    %add3A_75 = arith.addf %div3A_70, %add3A_74 : vector<1024x1xf32>
    %sqrt3A_76 = math.sqrt %add3A_75 : vector<1024x1xf32>
    %div3A_77 = vector.broadcast %sqrt3A_76 : vector<1024x1xf32> to vector<1024x256xf32>
    %div3A_78 = arith.divf %sub3A_72, %div3A_77 : vector<1024x256xf32>
    %mul3A_79 = vector.broadcast %get3A_52 : vector<1x256xf32> to vector<1024x256xf32>
    %mul3A_80 = arith.mulf %div3A_78, %mul3A_79 : vector<1024x256xf32>
    %add3A_81 = vector.broadcast %get3A_55 : vector<1x256xf32> to vector<1024x256xf32>
    %add3A_82 = arith.addf %mul3A_80, %add3A_81 : vector<1024x256xf32>
    %swap3A = arith.constant 0 : index
    %swap3A_83 = arith.constant 0 : index
    %swap3A_84 = vector.load %arg11[%swap3A, %swap3A_83] : memref<1024x256xf32, #tpu.memory_space<vmem>>, vector<1024x256xf32>
    tpu.vector_store %arg11[%swap3A, %swap3A_83], %add3A_82 {strides = array<i32>} : memref<1024x256xf32, #tpu.memory_space<vmem>>, vector<1024x256xf32>,
    %mul3A_85 = arith.mulf %add3A_82, %add3A_82 : vector<1024x256xf32>
    %reduce_sum3A_86 = arith.constant dense<0.000000e+00> : vector<1024xf32>
    %reduce_sum3A_87 = vector.multi_reduction <add>, %mul3A_85, %reduce_sum3A_86 [1] : vector<1024x256xf32> to vector<1024xf32>
    %broadcast_in_dim3A_88 = vector.shape_cast %reduce_sum3A_87 : vector<1024xf32> to vector<1024x1xf32>
    %mul3A_89 = arith.constant 5.000000e-01 : f32
    %mul3A_90 = vector.broadcast %mul3A_89 : f32 to vector<1024x1xf32>
    %mul3A_91 = arith.mulf %mul3A_90, %broadcast_in_dim3A_88 : vector<1024x1xf32>
    %get3A_92 = arith.constant 0 : index
    %get3A_93 = arith.constant 0 : index
    %get3A_94 = vector.load %arg10[%get3A_92, %get3A_93] : memref<256x8192xf32, #tpu.memory_space<vmem>>, vector<256x1024xf32>
    %dot_general3A_95 = arith.constant dense<0.000000e+00> : vector<1024x1024xf32>
    %dot_general3A_96 = tpu.matmul %add3A_82, %get3A_94, %dot_general3A_95 {dimension_numbers = #tpu.dot_dimension_numbers<[1], [0], [0], [1], [0, 0, 1, 1], [], []>, transpose_lhs_hint = false} : vector<1024x256xf32>, vector<256x1024xf32>, vector<1024x1024xf32> -> vector<1024x1024xf32>
    %sub3A_97 = vector.broadcast %mul3A_91 : vector<1024x1xf32> to vector<1024x1024xf32>
    %sub3A_98 = arith.subf %sub3A_97, %dot_general3A_96 : vector<1024x1024xf32>
    %get3A_99 = arith.constant 0 : index
    %get3A_100 = arith.constant 0 : index
    %get3A_101 = vector.load %arg13[%get3A_99, %get3A_100] : memref<1x8192xf32, #tpu.memory_space<vmem>>, vector<1x1024xf32>
    %add3A_102 = vector.broadcast %get3A_101 : vector<1x1024xf32> to vector<1024x1024xf32>
    %add3A_103 = arith.addf %sub3A_98, %add3A_102 : vector<1024x1024xf32>
    %reduce_min3A = arith.constant dense<0x7F800000> : vector<1024xf32>
    %reduce_min3A_104 = vector.multi_reduction <minimumf>, %add3A_103, %reduce_min3A [1] : vector<1024x1024xf32> to vector<1024xf32>
    %broadcast_in_dim3A_105 = vector.shape_cast %reduce_min3A_104 : vector<1024xf32> to vector<1024x1xf32>
    %eq3A_106 = vector.broadcast %broadcast_in_dim3A_105 : vector<1024x1xf32> to vector<1024x1024xf32>
    %eq3A_107 = arith.cmpf oeq, %add3A_103, %eq3A_106 : vector<1024x1024xf32>
    %get3A_108 = arith.constant 0 : index
    %get3A_109 = arith.constant 0 : index
    %get3A_110 = vector.load %arg14[%get3A_108, %get3A_109] : memref<1x8192xf32, #tpu.memory_space<vmem>>, vector<1x1024xf32>
    %jit3A = arith.constant 8.192000e+03 : f32
    %broadcast_in_dim3A_111 = vector.shape_cast %get3A_110 : vector<1x1024xf32> to vector<1x1024xf32>
    %broadcast_in_dim3A_112 = vector.broadcast %broadcast_in_dim3A_111 : vector<1x1024xf32> to vector<1024x1024xf32>
    %broadcast_in_dim3A_113 = vector.broadcast %jit3A : f32 to vector<1024x1024xf32>
    %select_n3A = arith.select %eq3A_107, %broadcast_in_dim3A_112, %broadcast_in_dim3A_113 : vector<1024x1024xi1>, vector<1024x1024xf32>
    %reduce_min3A_114 = arith.constant dense<0x7F800000> : vector<1024xf32>
    %reduce_min3A_115 = vector.multi_reduction <minimumf>, %select_n3A, %reduce_min3A_114 [1] : vector<1024x1024xf32> to vector<1024xf32>
    %broadcast_in_dim3A_116 = vector.shape_cast %reduce_min3A_115 : vector<1024xf32> to vector<1024x1xf32>
    %get3A_117 = arith.constant 0 : index
    %get3A_118 = arith.constant 1024 : index
    %get3A_119 = vector.load %arg10[%get3A_117, %get3A_118] : memref<256x8192xf32, #tpu.memory_space<vmem>>, vector<256x1024xf32>
    %dot_general3A_120 = arith.constant dense<0.000000e+00> : vector<1024x1024xf32>
    %dot_general3A_121 = tpu.matmul %add3A_82, %get3A_119, %dot_general3A_120 {dimension_numbers = #tpu.dot_dimension_numbers<[1], [0], [0], [1], [0, 0, 1, 1], [], []>, transpose_lhs_hint = false} : vector<1024x256xf32>, vector<256x1024xf32>, vector<1024x1024xf32> -> vector<1024x1024xf32>
    %sub3A_122 = vector.broadcast %mul3A_91 : vector<1024x1xf32> to vector<1024x1024xf32>
    %sub3A_123 = arith.subf %sub3A_122, %dot_general3A_121 : vector<1024x1024xf32>
    %get3A_124 = arith.constant 0 : index
    %get3A_125 = arith.constant 1024 : index
    %get3A_126 = vector.load %arg13[%get3A_124, %get3A_125] : memref<1x8192xf32, #tpu.memory_space<vmem>>, vector<1x1024xf32>
    %add3A_127 = vector.broadcast %get3A_126 : vector<1x1024xf32> to vector<1024x1024xf32>
    %add3A_128 = arith.addf %sub3A_123, %add3A_127 : vector<1024x1024xf32>
    %reduce_min3A_129 = arith.constant dense<0x7F800000> : vector<1024xf32>
    %reduce_min3A_130 = vector.multi_reduction <minimumf>, %add3A_128, %reduce_min3A_129 [1] : vector<1024x1024xf32> to vector<1024xf32>
    %broadcast_in_dim3A_131 = vector.shape_cast %reduce_min3A_130 : vector<1024xf32> to vector<1024x1xf32>
    %eq3A_132 = vector.broadcast %broadcast_in_dim3A_131 : vector<1024x1xf32> to vector<1024x1024xf32>
    %eq3A_133 = arith.cmpf oeq, %add3A_128, %eq3A_132 : vector<1024x1024xf32>
    %get3A_134 = arith.constant 0 : index
    %get3A_135 = arith.constant 1024 : index
    %get3A_136 = vector.load %arg14[%get3A_134, %get3A_135] : memref<1x8192xf32, #tpu.memory_space<vmem>>, vector<1x1024xf32>
    %jit3A_137 = arith.constant 8.192000e+03 : f32
    %broadcast_in_dim3A_138 = vector.shape_cast %get3A_136 : vector<1x1024xf32> to vector<1x1024xf32>
    %broadcast_in_dim3A_139 = vector.broadcast %broadcast_in_dim3A_138 : vector<1x1024xf32> to vector<1024x1024xf32>
    %broadcast_in_dim3A_140 = vector.broadcast %jit3A_137 : f32 to vector<1024x1024xf32>
    %select_n3A_141 = arith.select %eq3A_133, %broadcast_in_dim3A_139, %broadcast_in_dim3A_140 : vector<1024x1024xi1>, vector<1024x1024xf32>
    %reduce_min3A_142 = arith.constant dense<0x7F800000> : vector<1024xf32>
    %reduce_min3A_143 = vector.multi_reduction <minimumf>, %select_n3A_141, %reduce_min3A_142 [1] : vector<1024x1024xf32> to vector<1024xf32>
    %broadcast_in_dim3A_144 = vector.shape_cast %reduce_min3A_143 : vector<1024xf32> to vector<1024x1xf32>
    %lt3A = arith.cmpf olt, %broadcast_in_dim3A_131, %broadcast_in_dim3A_105 : vector<1024x1xf32>
    %select_n3A_145 = arith.select %lt3A, %broadcast_in_dim3A_144, %broadcast_in_dim3A_116 : vector<1024x1xi1>, vector<1024x1xf32>
    %select_n3A_146 = arith.select %lt3A, %broadcast_in_dim3A_131, %broadcast_in_dim3A_105 : vector<1024x1xi1>, vector<1024x1xf32>
    %get3A_147 = arith.constant 0 : index
    %get3A_148 = arith.constant 2048 : index
    %get3A_149 = vector.load %arg10[%get3A_147, %get3A_148] : memref<256x8192xf32, #tpu.memory_space<vmem>>, vector<256x1024xf32>
    %dot_general3A_150 = arith.constant dense<0.000000e+00> : vector<1024x1024xf32>
    %dot_general3A_151 = tpu.matmul %add3A_82, %get3A_149, %dot_general3A_150 {dimension_numbers = #tpu.dot_dimension_numbers<[1], [0], [0], [1], [0, 0, 1, 1], [], []>, transpose_lhs_hint = false} : vector<1024x256xf32>, vector<256x1024xf32>, vector<1024x1024xf32> -> vector<1024x1024xf32>
    %sub3A_152 = vector.broadcast %mul3A_91 : vector<1024x1xf32> to vector<1024x1024xf32>
    %sub3A_153 = arith.subf %sub3A_152, %dot_general3A_151 : vector<1024x1024xf32>
    %get3A_154 = arith.constant 0 : index
    %get3A_155 = arith.constant 2048 : index
    %get3A_156 = vector.load %arg13[%get3A_154, %get3A_155] : memref<1x8192xf32, #tpu.memory_space<vmem>>, vector<1x1024xf32>
    %add3A_157 = vector.broadcast %get3A_156 : vector<1x1024xf32> to vector<1024x1024xf32>
    %add3A_158 = arith.addf %sub3A_153, %add3A_157 : vector<1024x1024xf32>
    %reduce_min3A_159 = arith.constant dense<0x7F800000> : vector<1024xf32>
    %reduce_min3A_160 = vector.multi_reduction <minimumf>, %add3A_158, %reduce_min3A_159 [1] : vector<1024x1024xf32> to vector<1024xf32>
    %broadcast_in_dim3A_161 = vector.shape_cast %reduce_min3A_160 : vector<1024xf32> to vector<1024x1xf32>
    %eq3A_162 = vector.broadcast %broadcast_in_dim3A_161 : vector<1024x1xf32> to vector<1024x1024xf32>
    %eq3A_163 = arith.cmpf oeq, %add3A_158, %eq3A_162 : vector<1024x1024xf32>
    %get3A_164 = arith.constant 0 : index
    %get3A_165 = arith.constant 2048 : index
    %get3A_166 = vector.load %arg14[%get3A_164, %get3A_165] : memref<1x8192xf32, #tpu.memory_space<vmem>>, vector<1x1024xf32>
    %jit3A_167 = arith.constant 8.192000e+03 : f32
    %broadcast_in_dim3A_168 = vector.shape_cast %get3A_166 : vector<1x1024xf32> to vector<1x1024xf32>
    %broadcast_in_dim3A_169 = vector.broadcast %broadcast_in_dim3A_168 : vector<1x1024xf32> to vector<1024x1024xf32>
    %broadcast_in_dim3A_170 = vector.broadcast %jit3A_167 : f32 to vector<1024x1024xf32>
    %select_n3A_171 = arith.select %eq3A_163, %broadcast_in_dim3A_169, %broadcast_in_dim3A_170 : vector<1024x1024xi1>, vector<1024x1024xf32>
    %reduce_min3A_172 = arith.constant dense<0x7F800000> : vector<1024xf32>
    %reduce_min3A_173 = vector.multi_reduction <minimumf>, %select_n3A_171, %reduce_min3A_172 [1] : vector<1024x1024xf32> to vector<1024xf32>
    %broadcast_in_dim3A_174 = vector.shape_cast %reduce_min3A_173 : vector<1024xf32> to vector<1024x1xf32>
    %lt3A_175 = arith.cmpf olt, %broadcast_in_dim3A_161, %select_n3A_146 : vector<1024x1xf32>
    %select_n3A_176 = arith.select %lt3A_175, %broadcast_in_dim3A_174, %select_n3A_145 : vector<1024x1xi1>, vector<1024x1xf32>
    %select_n3A_177 = arith.select %lt3A_175, %broadcast_in_dim3A_161, %select_n3A_146 : vector<1024x1xi1>, vector<1024x1xf32>
    %get3A_178 = arith.constant 0 : index
    %get3A_179 = arith.constant 3072 : index
    %get3A_180 = vector.load %arg10[%get3A_178, %get3A_179] : memref<256x8192xf32, #tpu.memory_space<vmem>>, vector<256x1024xf32>
    %dot_general3A_181 = arith.constant dense<0.000000e+00> : vector<1024x1024xf32>
    %dot_general3A_182 = tpu.matmul %add3A_82, %get3A_180, %dot_general3A_181 {dimension_numbers = #tpu.dot_dimension_numbers<[1], [0], [0], [1], [0, 0, 1, 1], [], []>, transpose_lhs_hint = false} : vector<1024x256xf32>, vector<256x1024xf32>, vector<1024x1024xf32> -> vector<1024x1024xf32>
    %sub3A_183 = vector.broadcast %mul3A_91 : vector<1024x1xf32> to vector<1024x1024xf32>
    %sub3A_184 = arith.subf %sub3A_183, %dot_general3A_182 : vector<1024x1024xf32>
    %get3A_185 = arith.constant 0 : index
    %get3A_186 = arith.constant 3072 : index
    %get3A_187 = vector.load %arg13[%get3A_185, %get3A_186] : memref<1x8192xf32, #tpu.memory_space<vmem>>, vector<1x1024xf32>
    %add3A_188 = vector.broadcast %get3A_187 : vector<1x1024xf32> to vector<1024x1024xf32>
    %add3A_189 = arith.addf %sub3A_184, %add3A_188 : vector<1024x1024xf32>
    %reduce_min3A_190 = arith.constant dense<0x7F800000> : vector<1024xf32>
    %reduce_min3A_191 = vector.multi_reduction <minimumf>, %add3A_189, %reduce_min3A_190 [1] : vector<1024x1024xf32> to vector<1024xf32>
    %broadcast_in_dim3A_192 = vector.shape_cast %reduce_min3A_191 : vector<1024xf32> to vector<1024x1xf32>
    %eq3A_193 = vector.broadcast %broadcast_in_dim3A_192 : vector<1024x1xf32> to vector<1024x1024xf32>
    %eq3A_194 = arith.cmpf oeq, %add3A_189, %eq3A_193 : vector<1024x1024xf32>
    %get3A_195 = arith.constant 0 : index
    %get3A_196 = arith.constant 3072 : index
    %get3A_197 = vector.load %arg14[%get3A_195, %get3A_196] : memref<1x8192xf32, #tpu.memory_space<vmem>>, vector<1x1024xf32>
    %jit3A_198 = arith.constant 8.192000e+03 : f32
    %broadcast_in_dim3A_199 = vector.shape_cast %get3A_197 : vector<1x1024xf32> to vector<1x1024xf32>
    %broadcast_in_dim3A_200 = vector.broadcast %broadcast_in_dim3A_199 : vector<1x1024xf32> to vector<1024x1024xf32>
    %broadcast_in_dim3A_201 = vector.broadcast %jit3A_198 : f32 to vector<1024x1024xf32>
    %select_n3A_202 = arith.select %eq3A_194, %broadcast_in_dim3A_200, %broadcast_in_dim3A_201 : vector<1024x1024xi1>, vector<1024x1024xf32>
    %reduce_min3A_203 = arith.constant dense<0x7F800000> : vector<1024xf32>
    %reduce_min3A_204 = vector.multi_reduction <minimumf>, %select_n3A_202, %reduce_min3A_203 [1] : vector<1024x1024xf32> to vector<1024xf32>
    %broadcast_in_dim3A_205 = vector.shape_cast %reduce_min3A_204 : vector<1024xf32> to vector<1024x1xf32>
    %lt3A_206 = arith.cmpf olt, %broadcast_in_dim3A_192, %select_n3A_177 : vector<1024x1xf32>
    %select_n3A_207 = arith.select %lt3A_206, %broadcast_in_dim3A_205, %select_n3A_176 : vector<1024x1xi1>, vector<1024x1xf32>
    %select_n3A_208 = arith.select %lt3A_206, %broadcast_in_dim3A_192, %select_n3A_177 : vector<1024x1xi1>, vector<1024x1xf32>
    %get3A_209 = arith.constant 0 : index
    %get3A_210 = arith.constant 4096 : index
    %get3A_211 = vector.load %arg10[%get3A_209, %get3A_210] : memref<256x8192xf32, #tpu.memory_space<vmem>>, vector<256x1024xf32>
    %dot_general3A_212 = arith.constant dense<0.000000e+00> : vector<1024x1024xf32>
    %dot_general3A_213 = tpu.matmul %add3A_82, %get3A_211, %dot_general3A_212 {dimension_numbers = #tpu.dot_dimension_numbers<[1], [0], [0], [1], [0, 0, 1, 1], [], []>, transpose_lhs_hint = false} : vector<1024x256xf32>, vector<256x1024xf32>, vector<1024x1024xf32> -> vector<1024x1024xf32>
    %sub3A_214 = vector.broadcast %mul3A_91 : vector<1024x1xf32> to vector<1024x1024xf32>
    %sub3A_215 = arith.subf %sub3A_214, %dot_general3A_213 : vector<1024x1024xf32>
    %get3A_216 = arith.constant 0 : index
    %get3A_217 = arith.constant 4096 : index
    %get3A_218 = vector.load %arg13[%get3A_216, %get3A_217] : memref<1x8192xf32, #tpu.memory_space<vmem>>, vector<1x1024xf32>
    %add3A_219 = vector.broadcast %get3A_218 : vector<1x1024xf32> to vector<1024x1024xf32>
    %add3A_220 = arith.addf %sub3A_215, %add3A_219 : vector<1024x1024xf32>
    %reduce_min3A_221 = arith.constant dense<0x7F800000> : vector<1024xf32>
    %reduce_min3A_222 = vector.multi_reduction <minimumf>, %add3A_220, %reduce_min3A_221 [1] : vector<1024x1024xf32> to vector<1024xf32>
    %broadcast_in_dim3A_223 = vector.shape_cast %reduce_min3A_222 : vector<1024xf32> to vector<1024x1xf32>
    %eq3A_224 = vector.broadcast %broadcast_in_dim3A_223 : vector<1024x1xf32> to vector<1024x1024xf32>
    %eq3A_225 = arith.cmpf oeq, %add3A_220, %eq3A_224 : vector<1024x1024xf32>
    %get3A_226 = arith.constant 0 : index
    %get3A_227 = arith.constant 4096 : index
    %get3A_228 = vector.load %arg14[%get3A_226, %get3A_227] : memref<1x8192xf32, #tpu.memory_space<vmem>>, vector<1x1024xf32>
    %jit3A_229 = arith.constant 8.192000e+03 : f32
    %broadcast_in_dim3A_230 = vector.shape_cast %get3A_228 : vector<1x1024xf32> to vector<1x1024xf32>
    %broadcast_in_dim3A_231 = vector.broadcast %broadcast_in_dim3A_230 : vector<1x1024xf32> to vector<1024x1024xf32>
    %broadcast_in_dim3A_232 = vector.broadcast %jit3A_229 : f32 to vector<1024x1024xf32>
    %select_n3A_233 = arith.select %eq3A_225, %broadcast_in_dim3A_231, %broadcast_in_dim3A_232 : vector<1024x1024xi1>, vector<1024x1024xf32>
    %reduce_min3A_234 = arith.constant dense<0x7F800000> : vector<1024xf32>
    %reduce_min3A_235 = vector.multi_reduction <minimumf>, %select_n3A_233, %reduce_min3A_234 [1] : vector<1024x1024xf32> to vector<1024xf32>
    %broadcast_in_dim3A_236 = vector.shape_cast %reduce_min3A_235 : vector<1024xf32> to vector<1024x1xf32>
    %lt3A_237 = arith.cmpf olt, %broadcast_in_dim3A_223, %select_n3A_208 : vector<1024x1xf32>
    %select_n3A_238 = arith.select %lt3A_237, %broadcast_in_dim3A_236, %select_n3A_207 : vector<1024x1xi1>, vector<1024x1xf32>
    %select_n3A_239 = arith.select %lt3A_237, %broadcast_in_dim3A_223, %select_n3A_208 : vector<1024x1xi1>, vector<1024x1xf32>
    %get3A_240 = arith.constant 0 : index
    %get3A_241 = arith.constant 5120 : index
    %get3A_242 = vector.load %arg10[%get3A_240, %get3A_241] : memref<256x8192xf32, #tpu.memory_space<vmem>>, vector<256x1024xf32>
    %dot_general3A_243 = arith.constant dense<0.000000e+00> : vector<1024x1024xf32>
    %dot_general3A_244 = tpu.matmul %add3A_82, %get3A_242, %dot_general3A_243 {dimension_numbers = #tpu.dot_dimension_numbers<[1], [0], [0], [1], [0, 0, 1, 1], [], []>, transpose_lhs_hint = false} : vector<1024x256xf32>, vector<256x1024xf32>, vector<1024x1024xf32> -> vector<1024x1024xf32>
    %sub3A_245 = vector.broadcast %mul3A_91 : vector<1024x1xf32> to vector<1024x1024xf32>
    %sub3A_246 = arith.subf %sub3A_245, %dot_general3A_244 : vector<1024x1024xf32>
    %get3A_247 = arith.constant 0 : index
    %get3A_248 = arith.constant 5120 : index
    %get3A_249 = vector.load %arg13[%get3A_247, %get3A_248] : memref<1x8192xf32, #tpu.memory_space<vmem>>, vector<1x1024xf32>
    %add3A_250 = vector.broadcast %get3A_249 : vector<1x1024xf32> to vector<1024x1024xf32>
    %add3A_251 = arith.addf %sub3A_246, %add3A_250 : vector<1024x1024xf32>
    %reduce_min3A_252 = arith.constant dense<0x7F800000> : vector<1024xf32>
    %reduce_min3A_253 = vector.multi_reduction <minimumf>, %add3A_251, %reduce_min3A_252 [1] : vector<1024x1024xf32> to vector<1024xf32>
    %broadcast_in_dim3A_254 = vector.shape_cast %reduce_min3A_253 : vector<1024xf32> to vector<1024x1xf32>
    %eq3A_255 = vector.broadcast %broadcast_in_dim3A_254 : vector<1024x1xf32> to vector<1024x1024xf32>
    %eq3A_256 = arith.cmpf oeq, %add3A_251, %eq3A_255 : vector<1024x1024xf32>
    %get3A_257 = arith.constant 0 : index
    %get3A_258 = arith.constant 5120 : index
    %get3A_259 = vector.load %arg14[%get3A_257, %get3A_258] : memref<1x8192xf32, #tpu.memory_space<vmem>>, vector<1x1024xf32>
    %jit3A_260 = arith.constant 8.192000e+03 : f32
    %broadcast_in_dim3A_261 = vector.shape_cast %get3A_259 : vector<1x1024xf32> to vector<1x1024xf32>
    %broadcast_in_dim3A_262 = vector.broadcast %broadcast_in_dim3A_261 : vector<1x1024xf32> to vector<1024x1024xf32>
    %broadcast_in_dim3A_263 = vector.broadcast %jit3A_260 : f32 to vector<1024x1024xf32>
    %select_n3A_264 = arith.select %eq3A_256, %broadcast_in_dim3A_262, %broadcast_in_dim3A_263 : vector<1024x1024xi1>, vector<1024x1024xf32>
    %reduce_min3A_265 = arith.constant dense<0x7F800000> : vector<1024xf32>
    %reduce_min3A_266 = vector.multi_reduction <minimumf>, %select_n3A_264, %reduce_min3A_265 [1] : vector<1024x1024xf32> to vector<1024xf32>
    %broadcast_in_dim3A_267 = vector.shape_cast %reduce_min3A_266 : vector<1024xf32> to vector<1024x1xf32>
    %lt3A_268 = arith.cmpf olt, %broadcast_in_dim3A_254, %select_n3A_239 : vector<1024x1xf32>
    %select_n3A_269 = arith.select %lt3A_268, %broadcast_in_dim3A_267, %select_n3A_238 : vector<1024x1xi1>, vector<1024x1xf32>
    %select_n3A_270 = arith.select %lt3A_268, %broadcast_in_dim3A_254, %select_n3A_239 : vector<1024x1xi1>, vector<1024x1xf32>
    %get3A_271 = arith.constant 0 : index
    %get3A_272 = arith.constant 6144 : index
    %get3A_273 = vector.load %arg10[%get3A_271, %get3A_272] : memref<256x8192xf32, #tpu.memory_space<vmem>>, vector<256x1024xf32>
    %dot_general3A_274 = arith.constant dense<0.000000e+00> : vector<1024x1024xf32>
    %dot_general3A_275 = tpu.matmul %add3A_82, %get3A_273, %dot_general3A_274 {dimension_numbers = #tpu.dot_dimension_numbers<[1], [0], [0], [1], [0, 0, 1, 1], [], []>, transpose_lhs_hint = false} : vector<1024x256xf32>, vector<256x1024xf32>, vector<1024x1024xf32> -> vector<1024x1024xf32>
    %sub3A_276 = vector.broadcast %mul3A_91 : vector<1024x1xf32> to vector<1024x1024xf32>
    %sub3A_277 = arith.subf %sub3A_276, %dot_general3A_275 : vector<1024x1024xf32>
    %get3A_278 = arith.constant 0 : index
    %get3A_279 = arith.constant 6144 : index
    %get3A_280 = vector.load %arg13[%get3A_278, %get3A_279] : memref<1x8192xf32, #tpu.memory_space<vmem>>, vector<1x1024xf32>
    %add3A_281 = vector.broadcast %get3A_280 : vector<1x1024xf32> to vector<1024x1024xf32>
    %add3A_282 = arith.addf %sub3A_277, %add3A_281 : vector<1024x1024xf32>
    %reduce_min3A_283 = arith.constant dense<0x7F800000> : vector<1024xf32>
    %reduce_min3A_284 = vector.multi_reduction <minimumf>, %add3A_282, %reduce_min3A_283 [1] : vector<1024x1024xf32> to vector<1024xf32>
    %broadcast_in_dim3A_285 = vector.shape_cast %reduce_min3A_284 : vector<1024xf32> to vector<1024x1xf32>
    %eq3A_286 = vector.broadcast %broadcast_in_dim3A_285 : vector<1024x1xf32> to vector<1024x1024xf32>
    %eq3A_287 = arith.cmpf oeq, %add3A_282, %eq3A_286 : vector<1024x1024xf32>
    %get3A_288 = arith.constant 0 : index
    %get3A_289 = arith.constant 6144 : index
    %get3A_290 = vector.load %arg14[%get3A_288, %get3A_289] : memref<1x8192xf32, #tpu.memory_space<vmem>>, vector<1x1024xf32>
    %jit3A_291 = arith.constant 8.192000e+03 : f32
    %broadcast_in_dim3A_292 = vector.shape_cast %get3A_290 : vector<1x1024xf32> to vector<1x1024xf32>
    %broadcast_in_dim3A_293 = vector.broadcast %broadcast_in_dim3A_292 : vector<1x1024xf32> to vector<1024x1024xf32>
    %broadcast_in_dim3A_294 = vector.broadcast %jit3A_291 : f32 to vector<1024x1024xf32>
    %select_n3A_295 = arith.select %eq3A_287, %broadcast_in_dim3A_293, %broadcast_in_dim3A_294 : vector<1024x1024xi1>, vector<1024x1024xf32>
    %reduce_min3A_296 = arith.constant dense<0x7F800000> : vector<1024xf32>
    %reduce_min3A_297 = vector.multi_reduction <minimumf>, %select_n3A_295, %reduce_min3A_296 [1] : vector<1024x1024xf32> to vector<1024xf32>
    %broadcast_in_dim3A_298 = vector.shape_cast %reduce_min3A_297 : vector<1024xf32> to vector<1024x1xf32>
    %lt3A_299 = arith.cmpf olt, %broadcast_in_dim3A_285, %select_n3A_270 : vector<1024x1xf32>
    %select_n3A_300 = arith.select %lt3A_299, %broadcast_in_dim3A_298, %select_n3A_269 : vector<1024x1xi1>, vector<1024x1xf32>
    %select_n3A_301 = arith.select %lt3A_299, %broadcast_in_dim3A_285, %select_n3A_270 : vector<1024x1xi1>, vector<1024x1xf32>
    %get3A_302 = arith.constant 0 : index
    %get3A_303 = arith.constant 7168 : index
    %get3A_304 = vector.load %arg10[%get3A_302, %get3A_303] : memref<256x8192xf32, #tpu.memory_space<vmem>>, vector<256x1024xf32>
    %dot_general3A_305 = arith.constant dense<0.000000e+00> : vector<1024x1024xf32>
    %dot_general3A_306 = tpu.matmul %add3A_82, %get3A_304, %dot_general3A_305 {dimension_numbers = #tpu.dot_dimension_numbers<[1], [0], [0], [1], [0, 0, 1, 1], [], []>, transpose_lhs_hint = false} : vector<1024x256xf32>, vector<256x1024xf32>, vector<1024x1024xf32> -> vector<1024x1024xf32>
    %sub3A_307 = vector.broadcast %mul3A_91 : vector<1024x1xf32> to vector<1024x1024xf32>
    %sub3A_308 = arith.subf %sub3A_307, %dot_general3A_306 : vector<1024x1024xf32>
    %get3A_309 = arith.constant 0 : index
    %get3A_310 = arith.constant 7168 : index
    %get3A_311 = vector.load %arg13[%get3A_309, %get3A_310] : memref<1x8192xf32, #tpu.memory_space<vmem>>, vector<1x1024xf32>
    %add3A_312 = vector.broadcast %get3A_311 : vector<1x1024xf32> to vector<1024x1024xf32>
    %add3A_313 = arith.addf %sub3A_308, %add3A_312 : vector<1024x1024xf32>
    %reduce_min3A_314 = arith.constant dense<0x7F800000> : vector<1024xf32>
    %reduce_min3A_315 = vector.multi_reduction <minimumf>, %add3A_313, %reduce_min3A_314 [1] : vector<1024x1024xf32> to vector<1024xf32>
    %broadcast_in_dim3A_316 = vector.shape_cast %reduce_min3A_315 : vector<1024xf32> to vector<1024x1xf32>
    %eq3A_317 = vector.broadcast %broadcast_in_dim3A_316 : vector<1024x1xf32> to vector<1024x1024xf32>
    %eq3A_318 = arith.cmpf oeq, %add3A_313, %eq3A_317 : vector<1024x1024xf32>
    %get3A_319 = arith.constant 0 : index
    %get3A_320 = arith.constant 7168 : index
    %get3A_321 = vector.load %arg14[%get3A_319, %get3A_320] : memref<1x8192xf32, #tpu.memory_space<vmem>>, vector<1x1024xf32>
    %jit3A_322 = arith.constant 8.192000e+03 : f32
    %broadcast_in_dim3A_323 = vector.shape_cast %get3A_321 : vector<1x1024xf32> to vector<1x1024xf32>
    %broadcast_in_dim3A_324 = vector.broadcast %broadcast_in_dim3A_323 : vector<1x1024xf32> to vector<1024x1024xf32>
    %broadcast_in_dim3A_325 = vector.broadcast %jit3A_322 : f32 to vector<1024x1024xf32>
    %select_n3A_326 = arith.select %eq3A_318, %broadcast_in_dim3A_324, %broadcast_in_dim3A_325 : vector<1024x1024xi1>, vector<1024x1024xf32>
    %reduce_min3A_327 = arith.constant dense<0x7F800000> : vector<1024xf32>
    %reduce_min3A_328 = vector.multi_reduction <minimumf>, %select_n3A_326, %reduce_min3A_327 [1] : vector<1024x1024xf32> to vector<1024xf32>
    %broadcast_in_dim3A_329 = vector.shape_cast %reduce_min3A_328 : vector<1024xf32> to vector<1024x1xf32>
    %lt3A_330 = arith.cmpf olt, %broadcast_in_dim3A_316, %select_n3A_301 : vector<1024x1xf32>
    %select_n3A_331 = arith.select %lt3A_330, %broadcast_in_dim3A_329, %select_n3A_300 : vector<1024x1xi1>, vector<1024x1xf32>
    %convert_element_type3A_332 = arith.fptosi %select_n3A_331 : vector<1024x1xf32> to vector<1024x1xi32>
    %swap3A_333 = arith.constant 0 : index
    %swap3A_334 = arith.constant 0 : index
    %swap3A_335 = vector.load %arg12[%swap3A_333, %swap3A_334] : memref<1024x1xi32, #tpu.memory_space<vmem>>, vector<1024x1xi32>
    tpu.vector_store %arg12[%swap3A_333, %swap3A_334], %convert_element_type3A_332 {strides = array<i32>} : memref<1024x1xi32, #tpu.memory_space<vmem>>, vector<1024x1xi32>,
    return
  }
  func.func @transform_0(%arg0: i32) -> (i32, i32) {
    %c0_i32 = arith.constant 0 : i32
    %c0_i32_0 = arith.constant 0 : i32
    return %arg0, %c0_i32 : i32, i32
  }
  func.func @transform_1(%arg0: i32) -> (i32, i32) {
    %c0_i32 = arith.constant 0 : i32
    %c0_i32_0 = arith.constant 0 : i32
    %c0_i32_1 = arith.constant 0 : i32
    return %c0_i32, %c0_i32_0 : i32, i32
  }
  func.func @transform_2(%arg0: i32) -> (i32, i32) {
    %c0_i32 = arith.constant 0 : i32
    %c0_i32_0 = arith.constant 0 : i32
    %c0_i32_1 = arith.constant 0 : i32
    return %c0_i32, %c0_i32_0 : i32, i32
  }
  func.func @transform_3(%arg0: i32) -> (i32, i32) {
    %c0_i32 = arith.constant 0 : i32
    %c0_i32_0 = arith.constant 0 : i32
    %c0_i32_1 = arith.constant 0 : i32
    return %c0_i32, %c0_i32_0 : i32, i32
  }
  func.func @transform_4(%arg0: i32) -> (i32, i32) {
    %c0_i32 = arith.constant 0 : i32
    %c0_i32_0 = arith.constant 0 : i32
    %c0_i32_1 = arith.constant 0 : i32
    return %c0_i32, %c0_i32_0 : i32, i32
  }
  func.func @transform_5(%arg0: i32) -> (i32, i32) {
    %c0_i32 = arith.constant 0 : i32
    %c0_i32_0 = arith.constant 0 : i32
    %c0_i32_1 = arith.constant 0 : i32
    return %c0_i32, %c0_i32_0 : i32, i32
  }
  func.func @transform_6(%arg0: i32) -> (i32, i32) {
    %c0_i32 = arith.constant 0 : i32
    %c0_i32_0 = arith.constant 0 : i32
    %c0_i32_1 = arith.constant 0 : i32
    return %c0_i32, %c0_i32_0 : i32, i32
  }
  func.func @transform_7(%arg0: i32) -> (i32, i32) {
    %c0_i32 = arith.constant 0 : i32
    %c0_i32_0 = arith.constant 0 : i32
    %c0_i32_1 = arith.constant 0 : i32
    return %c0_i32, %c0_i32_0 : i32, i32
  }
  func.func @transform_8(%arg0: i32) -> (i32, i32) {
    %c0_i32 = arith.constant 0 : i32
    %c0_i32_0 = arith.constant 0 : i32
    %c0_i32_1 = arith.constant 0 : i32
    return %c0_i32, %c0_i32_0 : i32, i32
  }
  func.func @transform_9(%arg0: i32) -> (i32, i32) {
    %c0_i32 = arith.constant 0 : i32
    %c0_i32_0 = arith.constant 0 : i32
    %c0_i32_1 = arith.constant 0 : i32
    return %c0_i32, %c0_i32_0 : i32, i32
  }
  func.func @transform_10(%arg0: i32) -> (i32, i32) {
    %c0_i32 = arith.constant 0 : i32
    %c0_i32_0 = arith.constant 0 : i32
    return %arg0, %c0_i32 : i32, i32
  }
  func.func @transform_11(%arg0: i32) -> (i32, i32) {
    %c0_i32 = arith.constant 0 : i32
    %c0_i32_0 = arith.constant 0 : i32
    return %arg0, %c0_i32 : i32, i32
  }
}

module attributes {stable_mosaic.version = 14 : i64} {
  func.func @_dec_body(%arg0: i32, %arg1: memref<1024x256xf32, #tpu.memory_space<vmem>>, %arg2: memref<1024x256xf32, #tpu.memory_space<vmem>>, %arg3: memref<256x512xbf16, #tpu.memory_space<vmem>>, %arg4: memref<1x512xf32, #tpu.memory_space<vmem>>, %arg5: memref<512x768xbf16, #tpu.memory_space<vmem>>, %arg6: memref<1x768xf32, #tpu.memory_space<vmem>>, %arg7: memref<1024x256xf32, #tpu.memory_space<vmem>>, %arg8: memref<1024x768xf32, #tpu.memory_space<vmem>>, %arg9: memref<1x1xf32, #tpu.memory_space<vmem>>) attributes {dimension_semantics = [#tpu.dimension_semantics<arbitrary>], iteration_bounds = array<i64: 8>, scalar_prefetch = 0 : i64, scratch_operands = 0 : i64, tpu.core_type = #tpu.core_type<tc>, window_params = [{transform_indices = @transform_0, window_bounds = array<i64: 1024, 256>}, {transform_indices = @transform_1, window_bounds = array<i64: 1024, 256>}, {pipeline_mode = #tpu.pipeline_mode<synchronous>, transform_indices = @transform_2, window_bounds = array<i64: 256, 512>}, {pipeline_mode = #tpu.pipeline_mode<synchronous>, transform_indices = @transform_3, window_bounds = array<i64: 1, 512>}, {pipeline_mode = #tpu.pipeline_mode<synchronous>, transform_indices = @transform_4, window_bounds = array<i64: 512, 768>}, {pipeline_mode = #tpu.pipeline_mode<synchronous>, transform_indices = @transform_5, window_bounds = array<i64: 1, 768>}, {transform_indices = @transform_6, window_bounds = array<i64: 1024, 256>}, {transform_indices = @transform_7, window_bounds = array<i64: 1024, 768>}, {pipeline_mode = #tpu.pipeline_mode<synchronous>, transform_indices = @transform_8, window_bounds = array<i64: 1, 1>}]} {
    %get3A = arith.constant 0 : index
    %get3A_0 = arith.constant 0 : index
    %get3A_1 = vector.load %arg1[%get3A, %get3A_0] : memref<1024x256xf32, #tpu.memory_space<vmem>>, vector<1024x256xf32>
    %get3A_2 = arith.constant 0 : index
    %get3A_3 = arith.constant 0 : index
    %get3A_4 = vector.load %arg2[%get3A_2, %get3A_3] : memref<1024x256xf32, #tpu.memory_space<vmem>>, vector<1024x256xf32>
    %sub3A = arith.subf %get3A_4, %get3A_1 : vector<1024x256xf32>
    %add3A = arith.addf %get3A_1, %sub3A : vector<1024x256xf32>
    %swap3A = arith.constant 0 : index
    %swap3A_5 = arith.constant 0 : index
    %swap3A_6 = vector.load %arg7[%swap3A, %swap3A_5] : memref<1024x256xf32, #tpu.memory_space<vmem>>, vector<1024x256xf32>
    tpu.vector_store %arg7[%swap3A, %swap3A_5], %add3A {strides = array<i32>} : memref<1024x256xf32, #tpu.memory_space<vmem>>, vector<1024x256xf32>,
    %convert_element_type3A = arith.truncf %add3A : vector<1024x256xf32> to vector<1024x256xbf16>
    %get3A_7 = arith.constant 0 : index
    %get3A_8 = arith.constant 0 : index
    %get3A_9 = vector.load %arg3[%get3A_7, %get3A_8] : memref<256x512xbf16, #tpu.memory_space<vmem>>, vector<256x512xbf16>
    %dot_general3A = arith.constant dense<0.000000e+00> : vector<1024x512xf32>
    %dot_general3A_10 = tpu.matmul %convert_element_type3A, %get3A_9, %dot_general3A {dimension_numbers = #tpu.dot_dimension_numbers<[1], [0], [0], [1], [0, 0, 1, 1], [], []>, transpose_lhs_hint = false} : vector<1024x256xbf16>, vector<256x512xbf16>, vector<1024x512xf32> -> vector<1024x512xf32>
    %get3A_11 = arith.constant 0 : index
    %get3A_12 = arith.constant 0 : index
    %get3A_13 = vector.load %arg4[%get3A_11, %get3A_12] : memref<1x512xf32, #tpu.memory_space<vmem>>, vector<1x512xf32>
    %add3A_14 = vector.broadcast %get3A_13 : vector<1x512xf32> to vector<1024x512xf32>
    %add3A_15 = arith.addf %dot_general3A_10, %add3A_14 : vector<1024x512xf32>
    %max3A = arith.constant 0.000000e+00 : f32
    %max3A_16 = vector.broadcast %max3A : f32 to vector<1024x512xf32>
    %max3A_17 = arith.maximumf %add3A_15, %max3A_16 : vector<1024x512xf32>
    %convert_element_type3A_18 = arith.truncf %max3A_17 : vector<1024x512xf32> to vector<1024x512xbf16>
    %get3A_19 = arith.constant 0 : index
    %get3A_20 = arith.constant 0 : index
    %get3A_21 = vector.load %arg5[%get3A_19, %get3A_20] : memref<512x768xbf16, #tpu.memory_space<vmem>>, vector<512x768xbf16>
    %dot_general3A_22 = arith.constant dense<0.000000e+00> : vector<1024x768xf32>
    %dot_general3A_23 = tpu.matmul %convert_element_type3A_18, %get3A_21, %dot_general3A_22 {dimension_numbers = #tpu.dot_dimension_numbers<[1], [0], [0], [1], [0, 0, 1, 1], [], []>, transpose_lhs_hint = false} : vector<1024x512xbf16>, vector<512x768xbf16>, vector<1024x768xf32> -> vector<1024x768xf32>
    %get3A_24 = arith.constant 0 : index
    %get3A_25 = arith.constant 0 : index
    %get3A_26 = vector.load %arg6[%get3A_24, %get3A_25] : memref<1x768xf32, #tpu.memory_space<vmem>>, vector<1x768xf32>
    %add3A_27 = vector.broadcast %get3A_26 : vector<1x768xf32> to vector<1024x768xf32>
    %add3A_28 = arith.addf %dot_general3A_23, %add3A_27 : vector<1024x768xf32>
    %swap3A_29 = arith.constant 0 : index
    %swap3A_30 = arith.constant 0 : index
    %swap3A_31 = vector.load %arg8[%swap3A_29, %swap3A_30] : memref<1024x768xf32, #tpu.memory_space<vmem>>, vector<1024x768xf32>
    tpu.vector_store %arg8[%swap3A_29, %swap3A_30], %add3A_28 {strides = array<i32>} : memref<1024x768xf32, #tpu.memory_space<vmem>>, vector<1024x768xf32>,
    %sub3A_32 = arith.subf %get3A_1, %get3A_4 : vector<1024x256xf32>
    %mul3A = arith.mulf %sub3A_32, %sub3A_32 : vector<1024x256xf32>
    %reduce_sum3A = vector.shape_cast %mul3A : vector<1024x256xf32> to vector<1x1024x256xf32>
    %reduce_sum3A_33 = arith.constant dense<0.000000e+00> : vector<1xf32>
    %reduce_sum3A_34 = vector.multi_reduction <add>, %reduce_sum3A, %reduce_sum3A_33 [1, 2] : vector<1x1024x256xf32> to vector<1xf32>
    %reduce_sum3A_35 = vector.shape_cast %reduce_sum3A_34 : vector<1xf32> to vector<1x1x1xf32>
    %reduce_sum3A_36 = vector.extract %reduce_sum3A_35[0, 0, 0] : f32 from vector<1x1x1xf32>
    %reshape3A = vector.broadcast %reduce_sum3A_36 : f32 to vector<1x1xf32>
    %eq3A = arith.constant 0 : i32
    %eq3A_37 = arith.cmpi eq, %arg0, %eq3A : i32
    %convert_element_type3A_38 = arith.extui %eq3A_37 : i1 to i32
    %cond3A = arith.constant 0 : i32
    %cond3A_39 = arith.cmpi ne, %convert_element_type3A_38, %cond3A : i32
    scf.if %cond3A_39 {
      %broadcast_in_dim3A = arith.constant 0.000000e+00 : f32
      %broadcast_in_dim3A_52 = vector.broadcast %broadcast_in_dim3A : f32 to vector<1x1xf32>
      %swap3A_53 = arith.constant 0 : index
      %swap3A_54 = arith.constant 0 : index
      %swap3A_55 = vector.load %arg9[%swap3A_53, %swap3A_54] : memref<1x1xf32, #tpu.memory_space<vmem>>, vector<1x1xf32>
      tpu.vector_store %arg9[%swap3A_53, %swap3A_54], %broadcast_in_dim3A_52 {strides = array<i32>} : memref<1x1xf32, #tpu.memory_space<vmem>>, vector<1x1xf32>,
    } else {
    }
    %get3A_40 = arith.constant 0 : index
    %get3A_41 = arith.constant 0 : index
    %get3A_42 = vector.load %arg9[%get3A_40, %get3A_41] : memref<1x1xf32, #tpu.memory_space<vmem>>, vector<1x1xf32>
    %add3A_43 = arith.addf %get3A_42, %reshape3A : vector<1x1xf32>
    %swap3A_44 = arith.constant 0 : index
    %swap3A_45 = arith.constant 0 : index
    %swap3A_46 = vector.load %arg9[%swap3A_44, %swap3A_45] : memref<1x1xf32, #tpu.memory_space<vmem>>, vector<1x1xf32>
    tpu.vector_store %arg9[%swap3A_44, %swap3A_45], %add3A_43 {strides = array<i32>} : memref<1x1xf32, #tpu.memory_space<vmem>>, vector<1x1xf32>,
    %eq3A_47 = arith.constant 7 : i32
    %eq3A_48 = arith.cmpi eq, %arg0, %eq3A_47 : i32
    %convert_element_type3A_49 = arith.extui %eq3A_48 : i1 to i32
    %cond3A_50 = arith.constant 0 : i32
    %cond3A_51 = arith.cmpi ne, %convert_element_type3A_49, %cond3A_50 : i32
    scf.if %cond3A_51 {
      %get3A_52 = arith.constant 0 : index
      %get3A_53 = arith.constant 0 : index
      %get3A_54 = vector.load %arg9[%get3A_52, %get3A_53] : memref<1x1xf32, #tpu.memory_space<vmem>>, vector<1x1xf32>
      %mul3A_55 = arith.constant 4.76837158E-7 : f32
      %mul3A_56 = vector.broadcast %mul3A_55 : f32 to vector<1x1xf32>
      %mul3A_57 = arith.mulf %get3A_54, %mul3A_56 : vector<1x1xf32>
      %swap3A_58 = arith.constant 0 : index
      %swap3A_59 = arith.constant 0 : index
      %swap3A_60 = vector.load %arg9[%swap3A_58, %swap3A_59] : memref<1x1xf32, #tpu.memory_space<vmem>>, vector<1x1xf32>
      tpu.vector_store %arg9[%swap3A_58, %swap3A_59], %mul3A_57 {strides = array<i32>} : memref<1x1xf32, #tpu.memory_space<vmem>>, vector<1x1xf32>,
    } else {
    }
    return
  }
  func.func @transform_0(%arg0: i32) -> (i32, i32) {
    %c0_i32 = arith.constant 0 : i32
    %c0_i32_0 = arith.constant 0 : i32
    return %arg0, %c0_i32 : i32, i32
  }
  func.func @transform_1(%arg0: i32) -> (i32, i32) {
    %c0_i32 = arith.constant 0 : i32
    %c0_i32_0 = arith.constant 0 : i32
    return %arg0, %c0_i32 : i32, i32
  }
  func.func @transform_2(%arg0: i32) -> (i32, i32) {
    %c0_i32 = arith.constant 0 : i32
    %c0_i32_0 = arith.constant 0 : i32
    %c0_i32_1 = arith.constant 0 : i32
    return %c0_i32, %c0_i32_0 : i32, i32
  }
  func.func @transform_3(%arg0: i32) -> (i32, i32) {
    %c0_i32 = arith.constant 0 : i32
    %c0_i32_0 = arith.constant 0 : i32
    %c0_i32_1 = arith.constant 0 : i32
    return %c0_i32, %c0_i32_0 : i32, i32
  }
  func.func @transform_4(%arg0: i32) -> (i32, i32) {
    %c0_i32 = arith.constant 0 : i32
    %c0_i32_0 = arith.constant 0 : i32
    %c0_i32_1 = arith.constant 0 : i32
    return %c0_i32, %c0_i32_0 : i32, i32
  }
  func.func @transform_5(%arg0: i32) -> (i32, i32) {
    %c0_i32 = arith.constant 0 : i32
    %c0_i32_0 = arith.constant 0 : i32
    %c0_i32_1 = arith.constant 0 : i32
    return %c0_i32, %c0_i32_0 : i32, i32
  }
  func.func @transform_6(%arg0: i32) -> (i32, i32) {
    %c0_i32 = arith.constant 0 : i32
    %c0_i32_0 = arith.constant 0 : i32
    return %arg0, %c0_i32 : i32, i32
  }
  func.func @transform_7(%arg0: i32) -> (i32, i32) {
    %c0_i32 = arith.constant 0 : i32
    %c0_i32_0 = arith.constant 0 : i32
    return %arg0, %c0_i32 : i32, i32
  }
  func.func @transform_8(%arg0: i32) -> (i32, i32) {
    %c0_i32 = arith.constant 0 : i32
    %c0_i32_0 = arith.constant 0 : i32
    %c0_i32_1 = arith.constant 0 : i32
    return %c0_i32, %c0_i32_0 : i32, i32
  }
}

module attributes {stable_mosaic.version = 14 : i64} {
  func.func @_dec_body(%arg0: i32, %arg1: memref<1024x256xf32, #tpu.memory_space<vmem>>, %arg2: memref<1024x256xf32, #tpu.memory_space<vmem>>, %arg3: memref<256x512xbf16, #tpu.memory_space<vmem>>, %arg4: memref<1x512xf32, #tpu.memory_space<vmem>>, %arg5: memref<512x512xbf16, #tpu.memory_space<vmem>>, %arg6: memref<1x512xf32, #tpu.memory_space<vmem>>, %arg7: memref<1024x256xf32, #tpu.memory_space<vmem>>, %arg8: memref<1024x512xf32, #tpu.memory_space<vmem>>, %arg9: memref<1x1xf32, #tpu.memory_space<vmem>>) attributes {dimension_semantics = [#tpu.dimension_semantics<arbitrary>], iteration_bounds = array<i64: 8>, scalar_prefetch = 0 : i64, scratch_operands = 0 : i64, tpu.core_type = #tpu.core_type<tc>, window_params = [{transform_indices = @transform_0, window_bounds = array<i64: 1024, 256>}, {transform_indices = @transform_1, window_bounds = array<i64: 1024, 256>}, {pipeline_mode = #tpu.pipeline_mode<synchronous>, transform_indices = @transform_2, window_bounds = array<i64: 256, 512>}, {pipeline_mode = #tpu.pipeline_mode<synchronous>, transform_indices = @transform_3, window_bounds = array<i64: 1, 512>}, {pipeline_mode = #tpu.pipeline_mode<synchronous>, transform_indices = @transform_4, window_bounds = array<i64: 512, 512>}, {pipeline_mode = #tpu.pipeline_mode<synchronous>, transform_indices = @transform_5, window_bounds = array<i64: 1, 512>}, {transform_indices = @transform_6, window_bounds = array<i64: 1024, 256>}, {transform_indices = @transform_7, window_bounds = array<i64: 1024, 512>}, {pipeline_mode = #tpu.pipeline_mode<synchronous>, transform_indices = @transform_8, window_bounds = array<i64: 1, 1>}]} {
    %get3A = arith.constant 0 : index
    %get3A_0 = arith.constant 0 : index
    %get3A_1 = vector.load %arg1[%get3A, %get3A_0] : memref<1024x256xf32, #tpu.memory_space<vmem>>, vector<1024x256xf32>
    %get3A_2 = arith.constant 0 : index
    %get3A_3 = arith.constant 0 : index
    %get3A_4 = vector.load %arg2[%get3A_2, %get3A_3] : memref<1024x256xf32, #tpu.memory_space<vmem>>, vector<1024x256xf32>
    %sub3A = arith.subf %get3A_4, %get3A_1 : vector<1024x256xf32>
    %add3A = arith.addf %get3A_1, %sub3A : vector<1024x256xf32>
    %swap3A = arith.constant 0 : index
    %swap3A_5 = arith.constant 0 : index
    %swap3A_6 = vector.load %arg7[%swap3A, %swap3A_5] : memref<1024x256xf32, #tpu.memory_space<vmem>>, vector<1024x256xf32>
    tpu.vector_store %arg7[%swap3A, %swap3A_5], %add3A {strides = array<i32>} : memref<1024x256xf32, #tpu.memory_space<vmem>>, vector<1024x256xf32>,
    %convert_element_type3A = arith.truncf %add3A : vector<1024x256xf32> to vector<1024x256xbf16>
    %get3A_7 = arith.constant 0 : index
    %get3A_8 = arith.constant 0 : index
    %get3A_9 = vector.load %arg3[%get3A_7, %get3A_8] : memref<256x512xbf16, #tpu.memory_space<vmem>>, vector<256x512xbf16>
    %dot_general3A = arith.constant dense<0.000000e+00> : vector<1024x512xf32>
    %dot_general3A_10 = tpu.matmul %convert_element_type3A, %get3A_9, %dot_general3A {dimension_numbers = #tpu.dot_dimension_numbers<[1], [0], [0], [1], [0, 0, 1, 1], [], []>, transpose_lhs_hint = false} : vector<1024x256xbf16>, vector<256x512xbf16>, vector<1024x512xf32> -> vector<1024x512xf32>
    %get3A_11 = arith.constant 0 : index
    %get3A_12 = arith.constant 0 : index
    %get3A_13 = vector.load %arg4[%get3A_11, %get3A_12] : memref<1x512xf32, #tpu.memory_space<vmem>>, vector<1x512xf32>
    %add3A_14 = vector.broadcast %get3A_13 : vector<1x512xf32> to vector<1024x512xf32>
    %add3A_15 = arith.addf %dot_general3A_10, %add3A_14 : vector<1024x512xf32>
    %max3A = arith.constant 0.000000e+00 : f32
    %max3A_16 = vector.broadcast %max3A : f32 to vector<1024x512xf32>
    %max3A_17 = arith.maximumf %add3A_15, %max3A_16 : vector<1024x512xf32>
    %convert_element_type3A_18 = arith.truncf %max3A_17 : vector<1024x512xf32> to vector<1024x512xbf16>
    %get3A_19 = arith.constant 0 : index
    %get3A_20 = arith.constant 0 : index
    %get3A_21 = vector.load %arg5[%get3A_19, %get3A_20] : memref<512x512xbf16, #tpu.memory_space<vmem>>, vector<512x512xbf16>
    %dot_general3A_22 = arith.constant dense<0.000000e+00> : vector<1024x512xf32>
    %dot_general3A_23 = tpu.matmul %convert_element_type3A_18, %get3A_21, %dot_general3A_22 {dimension_numbers = #tpu.dot_dimension_numbers<[1], [0], [0], [1], [0, 0, 1, 1], [], []>, transpose_lhs_hint = false} : vector<1024x512xbf16>, vector<512x512xbf16>, vector<1024x512xf32> -> vector<1024x512xf32>
    %get3A_24 = arith.constant 0 : index
    %get3A_25 = arith.constant 0 : index
    %get3A_26 = vector.load %arg6[%get3A_24, %get3A_25] : memref<1x512xf32, #tpu.memory_space<vmem>>, vector<1x512xf32>
    %add3A_27 = vector.broadcast %get3A_26 : vector<1x512xf32> to vector<1024x512xf32>
    %add3A_28 = arith.addf %dot_general3A_23, %add3A_27 : vector<1024x512xf32>
    %swap3A_29 = arith.constant 0 : index
    %swap3A_30 = arith.constant 0 : index
    %swap3A_31 = vector.load %arg8[%swap3A_29, %swap3A_30] : memref<1024x512xf32, #tpu.memory_space<vmem>>, vector<1024x512xf32>
    tpu.vector_store %arg8[%swap3A_29, %swap3A_30], %add3A_28 {strides = array<i32>} : memref<1024x512xf32, #tpu.memory_space<vmem>>, vector<1024x512xf32>,
    %sub3A_32 = arith.subf %get3A_1, %get3A_4 : vector<1024x256xf32>
    %mul3A = arith.mulf %sub3A_32, %sub3A_32 : vector<1024x256xf32>
    %reduce_sum3A = vector.shape_cast %mul3A : vector<1024x256xf32> to vector<1x1024x256xf32>
    %reduce_sum3A_33 = arith.constant dense<0.000000e+00> : vector<1xf32>
    %reduce_sum3A_34 = vector.multi_reduction <add>, %reduce_sum3A, %reduce_sum3A_33 [1, 2] : vector<1x1024x256xf32> to vector<1xf32>
    %reduce_sum3A_35 = vector.shape_cast %reduce_sum3A_34 : vector<1xf32> to vector<1x1x1xf32>
    %reduce_sum3A_36 = vector.extract %reduce_sum3A_35[0, 0, 0] : f32 from vector<1x1x1xf32>
    %reshape3A = vector.broadcast %reduce_sum3A_36 : f32 to vector<1x1xf32>
    %eq3A = arith.constant 0 : i32
    %eq3A_37 = arith.cmpi eq, %arg0, %eq3A : i32
    %convert_element_type3A_38 = arith.extui %eq3A_37 : i1 to i32
    %cond3A = arith.constant 0 : i32
    %cond3A_39 = arith.cmpi ne, %convert_element_type3A_38, %cond3A : i32
    scf.if %cond3A_39 {
      %broadcast_in_dim3A = arith.constant 0.000000e+00 : f32
      %broadcast_in_dim3A_52 = vector.broadcast %broadcast_in_dim3A : f32 to vector<1x1xf32>
      %swap3A_53 = arith.constant 0 : index
      %swap3A_54 = arith.constant 0 : index
      %swap3A_55 = vector.load %arg9[%swap3A_53, %swap3A_54] : memref<1x1xf32, #tpu.memory_space<vmem>>, vector<1x1xf32>
      tpu.vector_store %arg9[%swap3A_53, %swap3A_54], %broadcast_in_dim3A_52 {strides = array<i32>} : memref<1x1xf32, #tpu.memory_space<vmem>>, vector<1x1xf32>,
    } else {
    }
    %get3A_40 = arith.constant 0 : index
    %get3A_41 = arith.constant 0 : index
    %get3A_42 = vector.load %arg9[%get3A_40, %get3A_41] : memref<1x1xf32, #tpu.memory_space<vmem>>, vector<1x1xf32>
    %add3A_43 = arith.addf %get3A_42, %reshape3A : vector<1x1xf32>
    %swap3A_44 = arith.constant 0 : index
    %swap3A_45 = arith.constant 0 : index
    %swap3A_46 = vector.load %arg9[%swap3A_44, %swap3A_45] : memref<1x1xf32, #tpu.memory_space<vmem>>, vector<1x1xf32>
    tpu.vector_store %arg9[%swap3A_44, %swap3A_45], %add3A_43 {strides = array<i32>} : memref<1x1xf32, #tpu.memory_space<vmem>>, vector<1x1xf32>,
    %eq3A_47 = arith.constant 7 : i32
    %eq3A_48 = arith.cmpi eq, %arg0, %eq3A_47 : i32
    %convert_element_type3A_49 = arith.extui %eq3A_48 : i1 to i32
    %cond3A_50 = arith.constant 0 : i32
    %cond3A_51 = arith.cmpi ne, %convert_element_type3A_49, %cond3A_50 : i32
    scf.if %cond3A_51 {
      %get3A_52 = arith.constant 0 : index
      %get3A_53 = arith.constant 0 : index
      %get3A_54 = vector.load %arg9[%get3A_52, %get3A_53] : memref<1x1xf32, #tpu.memory_space<vmem>>, vector<1x1xf32>
      %mul3A_55 = arith.constant 4.76837158E-7 : f32
      %mul3A_56 = vector.broadcast %mul3A_55 : f32 to vector<1x1xf32>
      %mul3A_57 = arith.mulf %get3A_54, %mul3A_56 : vector<1x1xf32>
      %swap3A_58 = arith.constant 0 : index
      %swap3A_59 = arith.constant 0 : index
      %swap3A_60 = vector.load %arg9[%swap3A_58, %swap3A_59] : memref<1x1xf32, #tpu.memory_space<vmem>>, vector<1x1xf32>
      tpu.vector_store %arg9[%swap3A_58, %swap3A_59], %mul3A_57 {strides = array<i32>} : memref<1x1xf32, #tpu.memory_space<vmem>>, vector<1x1xf32>,
    } else {
    }
    return
  }
  func.func @transform_0(%arg0: i32) -> (i32, i32) {
    %c0_i32 = arith.constant 0 : i32
    %c0_i32_0 = arith.constant 0 : i32
    return %arg0, %c0_i32 : i32, i32
  }
  func.func @transform_1(%arg0: i32) -> (i32, i32) {
    %c0_i32 = arith.constant 0 : i32
    %c0_i32_0 = arith.constant 0 : i32
    return %arg0, %c0_i32 : i32, i32
  }
  func.func @transform_2(%arg0: i32) -> (i32, i32) {
    %c0_i32 = arith.constant 0 : i32
    %c0_i32_0 = arith.constant 0 : i32
    %c0_i32_1 = arith.constant 0 : i32
    return %c0_i32, %c0_i32_0 : i32, i32
  }
  func.func @transform_3(%arg0: i32) -> (i32, i32) {
    %c0_i32 = arith.constant 0 : i32
    %c0_i32_0 = arith.constant 0 : i32
    %c0_i32_1 = arith.constant 0 : i32
    return %c0_i32, %c0_i32_0 : i32, i32
  }
  func.func @transform_4(%arg0: i32) -> (i32, i32) {
    %c0_i32 = arith.constant 0 : i32
    %c0_i32_0 = arith.constant 0 : i32
    %c0_i32_1 = arith.constant 0 : i32
    return %c0_i32, %c0_i32_0 : i32, i32
  }
  func.func @transform_5(%arg0: i32) -> (i32, i32) {
    %c0_i32 = arith.constant 0 : i32
    %c0_i32_0 = arith.constant 0 : i32
    %c0_i32_1 = arith.constant 0 : i32
    return %c0_i32, %c0_i32_0 : i32, i32
  }
  func.func @transform_6(%arg0: i32) -> (i32, i32) {
    %c0_i32 = arith.constant 0 : i32
    %c0_i32_0 = arith.constant 0 : i32
    return %arg0, %c0_i32 : i32, i32
  }
  func.func @transform_7(%arg0: i32) -> (i32, i32) {
    %c0_i32 = arith.constant 0 : i32
    %c0_i32_0 = arith.constant 0 : i32
    return %arg0, %c0_i32 : i32, i32
  }
  func.func @transform_8(%arg0: i32) -> (i32, i32) {
    %c0_i32 = arith.constant 0 : i32
    %c0_i32_0 = arith.constant 0 : i32
    %c0_i32_1 = arith.constant 0 : i32
    return %c0_i32, %c0_i32_0 : i32, i32
  }
}

</mosaic_0001>

<sc_bundles>
// kernel: kernel.11.cloned.1.call-start
scs
__scs_entry_jumppad:
0x0: {  	(pc) =	sbr.rel $0x88, $3  }
0x1: {  	(tag) =	ssettag $0x0;
	lr =	simm.s32 $0x1  }
0x2: {  	[smem:$0x3F86] =	sst lr;
	_ =	strace $0xD0000000  }
0x3: {  	_ = 	snop  }
0x4: {  	_ = 	snop  }
0x5: {  	_ = 	snop  }
0x6: {  	_ = 	snop  }
0x7: {  	_ = 	snop  }
__scs_overlays_trampoline_lowered:
0x8: {  	[smem:$0x3F95] =	sst s0  }
0x9: {  	[smem:$0x3F96] =	sst s1  }
0xa: {  	[smem:$0x3F97] =	sst s2  }
0xb: {  	[smem:$0x3F98] =	sst s3  }
0xc: {  	[smem:$0x3F99] =	sst s4  }
0xd: {  	[smem:$0x3F9A] =	sst s5  }
0xe: {  	[smem:$0x3F9B] =	sst s6  }
0xf: {  	[smem:$0x3F9C] =	sst s7  }
0x10: {  	[smem:$0x3F9D] =	sst s8  }
0x11: {  	[smem:$0x3F9E] =	sst s9;
	s0 =	simm.s32 @!p0 $0x0  }
0x12: {  	s1 =	sld [smem:$0x3F84];
	s0 =	simm.s32 @p0 $0x1  }
0x13: {  	[smem:$0x3F9F] =	sst s0;
	s0 =	simm.s32 @!p1 $0x0  }
0x14: {  	s2 =	sld [smem:$0x3F83];
	s0 =	simm.s32 @p1 $0x1  }
0x15: {  	[smem:$0x3FA0] =	sst s0;
	s0 =	simm.s32 @!p2 $0x0  }
0x16: {  	s3 =	sld [smem:$0x3FDB];
	s0 =	simm.s32 @p2 $0x1  }
0x17: {  	s4 =	simm.s32 $0x1BF5;
	[smem:$0x3FA2] =	sst s0  }
0x18: {  	s0 =	sld [smem:$0x3F85];
	_ =	swait.ge [sflag:s4], $0x0  }
0x19: {  	s7 =	sld [smem:$0x3F86]  }
0x1a: {  	s8 =	sadd.s32 $0xFFFFE003, lr  }
0x1b: {  	s9 =	sadd.s32 $0xFFFFFEF7, lr;
	s5 =	simm.s32 $0xFFFFFFFF;
	p2 =	slt.u32 s8, $0xFFFFF086  }
0x1c: {  	p1 =	slt.u32 s9, $0xF7A;
	s5 =	simm.s32 @!p2 $0x0  }
0x1d: {  	s5 =	simm.s32 @p1 $0x1;
	p0 =	seq.s32 s7, s2  }
0x1e: {  	s7 =	smul.u32 @!p0 $0xF7A, s2;
	p2 =	seq.s32 @!p0 s5, $0x0  }
0x1f: {  	s9 =	smul.u32 $0xF7A, s1;
	s8 =	simm.s32 @!p0 $0x1BF5;
	p2 =	por !p2, p0  }
0x20: {  	[sflag:s8] =	ssyncset.s32 @!p0 $0xFFFFF086;
	s6 =	sadd.s32 @!p0 s3, s7;
	s7 =	simm.s32 @!p0 $0x108  }
0x21: {  	s3 =	sadd.s32 s3, s9;
	s6 =	sadd.s32 @!p0 $0x88, s6;
	s7 =	simm.s32 @p2 $0x1082  }
0x22: {  	[simem:s7], [sflag:s8] =	dma.local @!p0 [hbm:s6], $0xF7A  }
0x23: {  	s9 =	sor.u32 $0xD0000000, s2;
	s6 =	simm.s32 $0x108;
	_ =	swait.ge @!p0 [sflag:s8], $0x0  }
0x24: {  	s3 =	sadd.s32 $0x88, s3;
	s6 =	simm.s32 @!p1 $0x1082;
	[sflag:s4] =	ssyncset.s32 $0xFFFFF086  }
0x25: {  	[simem:s6], [sflag:s4] =	dma.local [hbm:s3], $0xF7A  }
0x26: {  	[smem:$0x3F86] =	sst s1;
	(tag) =	ssettag s2;
	_ =	strace s9  }
0x27: {  	s1 =	sld [smem:$0x3F96]  }
0x28: {  	s2 =	sld [smem:$0x3F97]  }
0x29: {  	s4 =	sld [smem:$0x3F99]  }
0x2a: {  	p0 =	seq.s32 s5, $0x0;
	s5 =	sld [smem:$0x3F9A]  }
0x2b: {  	s6 =	sld [smem:$0x3F9B]  }
0x2c: {  	s7 =	sld [smem:$0x3F9C]  }
0x2d: {  	s3 =	simm.s32 $0x108;
	s8 =	sld [smem:$0x3F9D]  }
0x2e: {  	s3 =	simm.s32 @!p0 $0x1082;
	s9 =	sld [smem:$0x3F9E]  }
0x2f: {  	lr =	sadd.s32 s0, s3;
	s0 =	sld [smem:$0x3F95]  }
0x30: {  	s3 =	sld [smem:$0x3F98]  }
0x31: {  	[smem:$0x3FA1] =	sst s10  }
0x32: {  	s10 =	sld [smem:$0x3F9F];
	_ =	sdelay $0x3  }
0x33: {  	p0 =	seq.s32 s10, $0x1;
	s10 =	sld [smem:$0x3FA1];
	_ =	sdelay $0x3  }
0x34: {  	[smem:$0x3FA1] =	sst s10  }
0x35: {  	s10 =	sld [smem:$0x3FA0];
	_ =	sdelay $0x3  }
0x36: {  	p1 =	seq.s32 s10, $0x1;
	s10 =	sld [smem:$0x3FA1];
	_ =	sdelay $0x3  }
0x37: {  	[smem:$0x3FA1] =	sst s10  }
0x38: {  	s10 =	sld [smem:$0x3FA2]  }
0x39: {  	_ = 	snop;
	(pc) =	sbr.ind lr, $3  }
0x3a: {  	_ = 	snop  }
0x3b: {  	_ = 	snop  }
0x3c: {  	p2 =	seq.s32 s10, $0x1;
	s10 =	sld [smem:$0x3FA1]  }
0x3d: {  	_ =	shalt  }
0x3e: {  	_ =	shalt  }
0x3f: {  	_ =	shalt  }
0x40: {  	_ =	shalt  }
0x41: {  	_ =	shalt  }
0x42: {  	_ =	shalt  }
0x43: {  	_ =	shalt  }
0x44: {  	_ =	shalt  }
0x45: {  	_ =	shalt  }
0x46: {  	_ =	shalt  }
0x47: {  	_ =	shalt  }
0x48: {  	_ =	shalt  }
0x49: {  	_ =	shalt  }
0x4a: {  	_ =	shalt  }
0x4b: {  	_ =	shalt  }
0x4c: {  	_ =	shalt  }
0x4d: {  	_ =	shalt  }
0x4e: {  	_ =	shalt  }
0x4f: {  	_ =	shalt  }
0x50: {  	_ =	shalt  }
0x51: {  	_ =	shalt  }
0x52: {  	_ =	shalt  }
0x53: {  	_ =	shalt  }
0x54: {  	_ =	shalt  }
0x55: {  	_ =	shalt  }
0x56: {  	_ =	shalt  }
0x57: {  	_ =	shalt  }
0x58: {  	_ =	shalt  }
0x59: {  	_ =	shalt  }
0x5a: {  	_ =	shalt  }
0x5b: {  	_ =	shalt  }
0x5c: {  	_ =	shalt  }
0x5d: {  	_ =	shalt  }
0x5e: {  	_ =	shalt  }
0x5f: {  	_ =	shalt  }
0x60: {  	_ =	shalt  }
0x61: {  	_ =	shalt  }
0x62: {  	_ =	shalt  }
0x63: {  	_ =	shalt  }
0x64: {  	_ =	shalt  }
0x65: {  	_ =	shalt  }
0x66: {  	_ =	shalt  }
0x67: {  	_ =	shalt  }
0x68: {  	_ =	shalt  }
0x69: {  	_ =	shalt  }
0x6a: {  	_ =	shalt  }
0x6b: {  	_ =	shalt  }
0x6c: {  	_ =	shalt  }
0x6d: {  	_ =	shalt  }
0x6e: {  	_ =	shalt  }
0x6f: {  	_ =	shalt  }
0x70: {  	_ =	shalt  }
0x71: {  	_ =	shalt  }
0x72: {  	_ =	shalt  }
0x73: {  	_ =	shalt  }
0x74: {  	_ =	shalt  }
0x75: {  	_ =	shalt  }
0x76: {  	_ =	shalt  }
0x77: {  	_ =	shalt  }
0x78: {  	_ =	shalt  }
0x79: {  	_ =	shalt  }
0x7a: {  	_ =	shalt  }
0x7b: {  	_ =	shalt  }
0x7c: {  	_ =	shalt  }
0x7d: {  	_ =	shalt  }
0x7e: {  	_ =	shalt  }
0x7f: {  	_ =	shalt  }
0x80: {  	_ =	shalt  }
0x81: {  	_ =	shalt  }
0x82: {  	_ =	shalt  }
0x83: {  	_ =	shalt  }
0x84: {  	_ =	shalt  }
0x85: {  	_ =	shalt  }
0x86: {  	_ =	shalt  }
0x87: {  	_ =	shalt  }
.Lfunc_end0:
.L_simem_size_0:
called_computation.1_lowered:
.L_overlay_start_0:
0x88: {  	s2 =	sld [smem:$0x3FD9]  }
0x89: {  	s3 =	sld [smem:$0x3FFE];
	_ =	sdelay $0x1  }
0x8a: {  	s1 =	srdreg.scid  }
0x8b: {  	s0 =	sand.u32 $0x1, s1  }
0x8c: {  	s16 =	sshll.u32 s0, $0xA;
	s2 =	sadd.s32 s3, s2  }
0x8d: {  	s2 =	sadd.s32 s2, s16  }
0x8e: {  	[smem:$0x3FAD] =	sst s2  }
0x8f: {  	_ = 	snop  }
0x90: {  	s17 =	sld [smem:$0x3FD0];
	_ =	sdelay $0x2  }
0x91: {  	s5 =	simm.s32 $0xB;
	s4 =	simm.s32 $0x10;
	s2 =	sld [smem:$0x3FAF]  }
0x92: {  	[smem:s4], [sflag:s5] =	dma.local [hbm:s17], $0x1  }
0x93: {  	_ =	swait.eq [sflag:s5], $0x1  }
0x94: {  	[sflag:s5] =	ssyncset.done $0x0  }
0x95: {  	s18 =	sld [smem:$0x13];
	[sflag:s5] =	ssyncadd.s32 $0xFFFFFFFF  }
0x96: {  	s19 =	sld [smem:$0x15];
	(tm) =	ssettm $0x1  }
0x97: {  	s20 =	sld [smem:$0x3FFB];
	_ =	sdelay $0x3  }
0x98: {  	_ =	strace s20  }
0x99: {  	s3 =	sld [smem:$0x3FFC];
	_ =	sdelay $0x3  }
0x9a: {  	_ =	strace s3  }
0x9b: {  	s3 =	sld [smem:$0x3FFD];
	_ =	sdelay $0x3  }
0x9c: {  	_ =	strace s3  }
0x9d: {  	_ =	strace $0x8FFFFFFF  }
0x9e: {  	s21 =	sld [smem:$0x3FDB];
	_ =	sdelay $0x1  }
0x9f: {  	s6 =	simm.s32 $_scs_section_size  }
0xa0: {  	s7 =	simm.s32 $_size__tile_overlayer_lowered;
	s8 =	simm.s32 $_tile_overlayer_lowered  }
0xa1: {  	s9 =	simm.s32 $0x1BFF;
	s22 =	sshll.u32 s8, $0x1;
	s6 =	sadd.s32 s6, s21  }
0xa2: {  	s23 =	simm.s32 $0x0;
	s7 =	sshll.u32 s7, $0x1;
	s8 =	sadd.s32 s22, s6  }
0xa3: {  	[timem:s23], [sflag:s9] =	dma.local [hbm:s8], s7  }
0xa4: {  	_ =	swait.ge [sflag:s9], s7  }
0xa5: {  	s7 =	ssub.s32 $0x0, s7;
	[sflag:s9] =	ssyncset.done $0x0  }
0xa6: {  	[sflag:s9] =	ssyncadd.s32 s7;
	_ =	sdelay $0x1  }
0xa7: {  	s24 =	simm.s32 $0x1B8B  }
0xa8: {  	_ =	swait.ge [sflag:s24], $0x1  }
0xa9: {  	[sflag:s24] =	ssyncset.done $0x0  }
0xaa: {  	[sflag:s24] =	ssyncadd.s32 $0xFFFFFFFF  }
0xab: {  	s7 =	sld [smem:$0x0]  }
0xac: {  	s8 =	sand.u32 $0xFFFFFFFE, s1  }
0xad: {  	p0 =	sne.s32 s1, s8  }
0xae: {  	s8 =	sshll.u32 @p0 s8, $0xE  }
0xaf: {  	s8 =	sadd.s32 @p0 $0x11B8D, s8;
	s9 =	sshll.u32 @p0 s7, $0x11  }
0xb0: {  	s8 =	sor.u32 @p0 s9, s8  }
0xb1: {  	[sflag:s8] =	ssyncadd.remote.s32 @p0 $0x1;
	_ =	sdelay $0x1  }
0xb2: {  	s8 =	simm.s32 @p0 $0x1B8D  }
0xb3: {  	_ =	swait.eq @p0 [sflag:s8], $0x1  }
0xb4: {  	[sflag:s8] =	ssyncadd.s32 @p0 $0xFFFFFFFF  }
0xb5: {  	s9 =	sshll.u32 @!p0 s1, $0xE  }
0xb6: {  	s9 =	sor.u32 @!p0 $0x4000, s9;
	s8 =	simm.s32 @!p0 $0x1B8D  }
0xb7: {  	s7 =	sshll.u32 @!p0 s7, $0x11;
	s9 =	sadd.s32 @!p0 $0x11B8D, s9;
	_ =	swait.eq @!p0 [sflag:s8], $0x1  }
0xb8: {  	s7 =	sor.u32 @!p0 s7, s9;
	[sflag:s8] =	ssyncadd.s32 @!p0 $0xFFFFFFFF  }
0xb9: {  	s25 =	simm.s32 $0x1B8E;
	[sflag:s7] =	ssyncadd.remote.s32 @!p0 $0x1  }
0xba: {  	s26 =	simm.s32 $execute0_lowered;
	[smem:$0x3FD2] =	sst s25  }
0xbb: {  	s7 =	sshll.u32 s26, $0x1;
	_ =	strace $0x80000049;
	[dreg:$0x1] =	wrdreg $0xFFFFFFFF  }
0xbc: {  	s28 =	simm.s32 $_size_execute0_lowered;
	s6 =	sadd.s32 s6, s7;
	[dreg:$0x0] =	wrdreg $0x0  }
0xbd: {  	s7 =	sshll.u32 s28, $0x1;
	[dreg:$0x2] =	wrdreg s6  }
0xbe: {  	[dreg:$0x3] =	wrdreg s7  }
0xbf: {  	[dreg:$0x4] =	wrdreg $0xC0  }
0xc0: {  	_ =	task [dreg:s23], $0x5FFFF  }
0xc1: {  	[dreg:$0x1] =	wrdreg $0xFFFFFFFF  }
0xc2: {  	[dreg:$0x0] =	wrdreg $0x60  }
0xc3: {  	[dreg:$0x2] =	wrdreg s2  }
0xc4: {  	[dreg:$0x3] =	wrdreg s19  }
0xc5: {  	[dreg:$0x4] =	wrdreg s18  }
0xc6: {  	[dreg:$0x5] =	wrdreg $0xA  }
0xc7: {  	_ =	task.clear_ibuf [dreg:s23], $0x6FFFF;
	_ =	strace $0x90000049  }
0xc8: {  	s29 =	simm.s32 $0xA;
	_ =	strace $0x8000004B  }
0xc9: {  	_ =	swait.ge [sflag:s29], $0x1  }
0xca: {  	[sflag:s29] =	ssyncadd.s32 $0xFFFFFFFF  }
0xcb: {  	_ =	strace $0x9000004B  }
0xcc: {  	_ =	sfence  }
0xcd: {  	s30 =	sld [smem:$0x0];
	_ =	sdelay $0x2  }
0xce: {  	s31 =	sshll.u32 s1, $0xD;
	s1 =	sshrl.u32 s1, $0x2  }
0xcf: {  	s4 =	sand.u32 $0x4000, s31;
	s1 =	sadd.s32 s1, s30  }
0xd0: {  	s0 =	sor.u32 s4, s0;
	s1 =	sshll.u32 s1, $0x11  }
0xd1: {  	s0 =	sor.u32 s1, s0  }
0xd2: {  	s0 =	sadd.s32 $0x8F2B, s0  }
0xd3: {  	[sflag:s0] =	ssyncadd.remote.s32 $0x1  }
0xd4: {  	_ =	sfence.sel $0xFFFF  }
0xd5: {  	[dreg:$0x0] =	wrdreg $0xFFFFFFFF;
	(pc) =	sbr.abs _section_cstart, $3  }
0xd6: {  	[dreg:$0x1] =	wrdreg $0xFFFFFFFF  }
0xd7: {  	_ =	task.clear_ibuf [dreg:s23], $0x2FFFF;
	_ =	strace $0x9FFFFFFF  }
0xd8: {  	(tm) =	ssettm $0x7FFFFFFF  }
0xd9: {  	_ =	shalt  }
tec
execute0_lowered:
.L_overlay_start_1:
0x0: {  	(tag) =	ssettag $0x1  }
0x1: {  	s1 =	rddreg [dreg:$0x0]  }
0x2: {  	s4 =	rddreg [dreg:$0x1]  }
0x3: {  	s2 =	srdreg.scid;
	s5 =	rddreg [dreg:$0x2];
	s3 =	simm.s32 $0x0  }
0x4: {  	s0 =	stileid.u32;
	s15 =	simm.s32 $0x80;
	[smem:$0x7FF] =	sst s3  }
0x5: {  	s16 =	simm.s32 $0x900;
	_ =	strace $0x8000004A;
	[dreg:$0x8] =	wrdreg s15  }
0x6: {  	s17 =	simm.s32 $0x1100;
	s18 =	simm.s32 $0x1900;
	[dreg:$0x9] =	wrdreg s16  }
0x7: {  	s19 =	simm.s32 $0x2100;
	s20 =	simm.s32 $0x2900;
	[dreg:$0xa] =	wrdreg s17  }
0x8: {  	s21 =	simm.s32 $0x3100;
	s23 =	simm.s32 $0x3900;
	[dreg:$0xb] =	wrdreg s18  }
0x9: {  	s24 =	simm.s32 $0x4100;
	s25 =	simm.s32 $0x4900;
	[dreg:$0xc] =	wrdreg s19  }
0xa: {  	s26 =	simm.s32 $0x5100;
	s10 =	simm.s32 $0x7100;
	[dreg:$0xd] =	wrdreg s20  }
0xb: {  	s11 =	simm.s32 $0x7900;
	s28 =	simm.s32 $0xF900;
	[dreg:$0xe] =	wrdreg s21  }
0xc: {  	s29 =	simm.s32 $0x1;
	s30 =	simm.s32 $0x2;
	[dreg:$0xf] =	wrdreg s23  }
0xd: {  	s31 =	simm.s32 $0x3;
	s2 =	sand.u32 $0x1, s2;
	[dreg:$0x10] =	wrdreg s24  }
0xe: {  	s6 =	sshll.u32 s0, $0x9;
	s7 =	sshll.u32 s2, $0x8;
	[dreg:$0x11] =	wrdreg s25  }
0xf: {  	s2 =	ssub.s32 $0x2, s2;
	[dreg:$0x12] =	wrdreg s26;
	s15 =	simm.s32 $0x9900  }
0x10: {  	s16 =	simm.s32 $0xA100;
	s17 =	simm.s32 $0xA900;
	s18 =	simm.s32 $0xB100  }
0x11: {  	s19 =	simm.s32 $0xB900;
	s20 =	simm.s32 $0xC100;
	s21 =	simm.s32 $0xC900  }
0x12: {  	s23 =	simm.s32 $0xD900;
	s24 =	simm.s32 $0xE100;
	s25 =	simm.s32 $0xE900  }
0x13: {  	s26 =	simm.s32 $0xF100;
	s6 =	sor.u32 s7, s6;
	s22 =	sshrl.u32 s2, $0x1  }
0x14: {  	s7 =	sshrl.u32 s6, $0x3;
	s8 =	sor.u32 $0x80, s6;
	s6 =	sshll.u32 s6, $0x5  }
0x15: {  	s2 =	ssub.s32 s2, s22;
	s22 =	simm.s32 $0xD100;
	s7 =	sadd.s32 s4, s7  }
0x16: {  	s9 =	sshrl.u32 s8, $0x3;
	s12 =	sadd.s32 s5, s6;
	s13 =	sshll.u32 s8, $0x5  }
0x17: {  	s6 =	simm.s32 $0x100;
	s8 =	simm.s32 $0x6100;
	[dreg:$0x4] =	wrdreg s7  }
0x18: {  	s4 =	sadd.s32 s4, s9;
	[dreg:$0x6] =	wrdreg s12;
	s14 =	sadd.s32 s5, s13  }
0x19: {  	v2 =	vlaneseq.u32;
	s5 =	simm.s32 $0x5;
	s9 =	simm.s32 $0x6900;
	[dreg:$0x5] =	wrdreg s4  }
0x1a: {  	vm0 =	vmmov $0xffff;
	v1 =	vshrl.u32 v2, $0x3;
	s12 =	simm.s32 $0x8100;
	s13 =	simm.s32 $0x8900;
	[dreg:$0x7] =	wrdreg s14  }
0x1b: {  	v0 =	vand.u32 $0x7, v2;
	v2 =	vor.u32 $0x8, v2;
	v1 =	vmul.u32 $0x8, v1;
	s4 =	smax.u32 s2, $0x1;
	s14 =	simm.s32 $0x9100;
	s2 =	simm.s32 $0x4  }
.LBB2_1:
0x1c: {  	s0 =	rddreg [dreg:$0x4]  }
0x1d: {  	[tilespmem:s3], [sflag:$0x5] =	stream.linear.gather [hbm4b:s0+s3], $0x80, $0x38;
	[tilespmem:$0x10100] =	vst v63  }
0x1e: {  	_ =	swait.ge [sflag:s5], $0x80  }
0x1f: {  	s0 =	rddreg [dreg:$0x5];
	[sflag:s5] =	ssyncset.done $0x0  }
0x20: {  	s7 =	rddreg [dreg:$0x8];
	[sflag:s5] =	ssyncadd.s32 $0xFFFFFF80  }
0x21: {  	[tilespmem:s7], [sflag:$0x5] =	stream.linear.gather [hbm4b:s0+s3], $0x80, $0x38;
	[tilespmem:$0x10100] =	vst v63  }
0x22: {  	_ =	swait.ge [sflag:s5], $0x80  }
0x23: {  	[sflag:s5] =	ssyncset.done $0x0  }
0x24: {  	[sflag:s5] =	ssyncadd.s32 $0xFFFFFF80  }
0x25: {  	v3 =	vld [tilespmem:$0x0];
	_ =	sdelay $0x4  }
0x26: {  	v4 =	vshll.u32 v3, $0x1  }
0x27: {  	v3 =	vand.u32 $0x7, v3;
	v4 =	vand.u32 $0xFFFFFFF0, v4  }
0x28: {  	v3 =	vor.u32 v3, v4  }
0x29: {  	v4 =	vperm.xlane v3, v0;
	_ =	sdelay $0x1  }
0x2a: {  	v3 =	vperm.xlane v3, v2;
	v4 =	vadd.s32 v1, v4;
	_ =	sdelay $0x1  }
0x2b: {  	v3 =	vadd.s32 v1, v3;
	_ =	sdelay $0x2  }
0x2c: {  	[tilespmem:s6], [sflag:$0x1] =	stream.indirect_vreg.gather [hbm4b:s1+s3], $0x80, v4, vm0, $0xb8;
	[tilespmem:$0x10100] =	vst v63  }
0x2d: {  	s7 =	rddreg [dreg:$0x9]  }
0x2e: {  	[tilespmem:s7], [sflag:$0x1] =	stream.indirect_vreg.gather [hbm4b:s1+s3], $0x80, v3, vm0, $0xb8;
	[tilespmem:$0x10100] =	vst v63  }
0x2f: {  	v3 =	vld [tilespmem:$0x10];
	_ =	sdelay $0x4  }
0x30: {  	v49 =	vshll.u32 v3, $0x1  }
0x31: {  	v3 =	vand.u32 $0x7, v3;
	v4 =	vand.u32 $0xFFFFFFF0, v49  }
0x32: {  	v3 =	vor.u32 v3, v4  }
0x33: {  	v4 =	vperm.xlane v3, v0;
	_ =	sdelay $0x1  }
0x34: {  	v3 =	vperm.xlane v3, v2;
	v4 =	vadd.s32 v1, v4;
	_ =	sdelay $0x1  }
0x35: {  	v3 =	vadd.s32 v1, v3;
	_ =	sdelay $0x1  }
0x36: {  	s0 =	rddreg [dreg:$0xa]  }
0x37: {  	[tilespmem:s0], [sflag:$0x1] =	stream.indirect_vreg.gather [hbm4b:s1+s3], $0x80, v4, vm0, $0xb8;
	[tilespmem:$0x10100] =	vst v63  }
0x38: {  	s7 =	rddreg [dreg:$0xb]  }
0x39: {  	[tilespmem:s7], [sflag:$0x1] =	stream.indirect_vreg.gather [hbm4b:s1+s3], $0x80, v3, vm0, $0xb8;
	[tilespmem:$0x10100] =	vst v63  }
0x3a: {  	v3 =	vld [tilespmem:$0x20];
	_ =	sdelay $0x4  }
0x3b: {  	v50 =	vshll.u32 v3, $0x1  }
0x3c: {  	v3 =	vand.u32 $0x7, v3;
	v4 =	vand.u32 $0xFFFFFFF0, v50  }
0x3d: {  	v3 =	vor.u32 v3, v4  }
0x3e: {  	v4 =	vperm.xlane v3, v0;
	_ =	sdelay $0x1  }
0x3f: {  	v3 =	vperm.xlane v3, v2;
	v4 =	vadd.s32 v1, v4;
	_ =	sdelay $0x1  }
0x40: {  	v3 =	vadd.s32 v1, v3;
	_ =	sdelay $0x1  }
0x41: {  	s0 =	rddreg [dreg:$0xc]  }
0x42: {  	[tilespmem:s0], [sflag:$0x1] =	stream.indirect_vreg.gather [hbm4b:s1+s3], $0x80, v4, vm0, $0xb8;
	[tilespmem:$0x10100] =	vst v63  }
0x43: {  	s7 =	rddreg [dreg:$0xd]  }
0x44: {  	[tilespmem:s7], [sflag:$0x1] =	stream.indirect_vreg.gather [hbm4b:s1+s3], $0x80, v3, vm0, $0xb8;
	[tilespmem:$0x10100] =	vst v63  }
0x45: {  	v3 =	vld [tilespmem:$0x30];
	_ =	sdelay $0x4  }
0x46: {  	v51 =	vshll.u32 v3, $0x1  }
0x47: {  	v3 =	vand.u32 $0x7, v3;
	v4 =	vand.u32 $0xFFFFFFF0, v51  }
0x48: {  	v3 =	vor.u32 v3, v4  }
0x49: {  	v4 =	vperm.xlane v3, v0;
	_ =	sdelay $0x1  }
0x4a: {  	v3 =	vperm.xlane v3, v2;
	v4 =	vadd.s32 v1, v4;
	_ =	sdelay $0x1  }
0x4b: {  	v3 =	vadd.s32 v1, v3;
	_ =	sdelay $0x1  }
0x4c: {  	s0 =	rddreg [dreg:$0xe]  }
0x4d: {  	[tilespmem:s0], [sflag:$0x1] =	stream.indirect_vreg.gather [hbm4b:s1+s3], $0x80, v4, vm0, $0xb8;
	[tilespmem:$0x10100] =	vst v63  }
0x4e: {  	s7 =	rddreg [dreg:$0xf]  }
0x4f: {  	[tilespmem:s7], [sflag:$0x1] =	stream.indirect_vreg.gather [hbm4b:s1+s3], $0x80, v3, vm0, $0xb8;
	[tilespmem:$0x10100] =	vst v63  }
0x50: {  	v3 =	vld [tilespmem:$0x40];
	_ =	sdelay $0x4  }
0x51: {  	v52 =	vshll.u32 v3, $0x1  }
0x52: {  	v3 =	vand.u32 $0x7, v3;
	v4 =	vand.u32 $0xFFFFFFF0, v52  }
0x53: {  	v3 =	vor.u32 v3, v4  }
0x54: {  	v4 =	vperm.xlane v3, v0;
	_ =	sdelay $0x1  }
0x55: {  	v3 =	vperm.xlane v3, v2;
	v4 =	vadd.s32 v1, v4;
	_ =	sdelay $0x1  }
0x56: {  	v3 =	vadd.s32 v1, v3;
	_ =	sdelay $0x1  }
0x57: {  	s0 =	rddreg [dreg:$0x10]  }
0x58: {  	[tilespmem:s0], [sflag:$0x1] =	stream.indirect_vreg.gather [hbm4b:s1+s3], $0x80, v4, vm0, $0xb8;
	[tilespmem:$0x10100] =	vst v63  }
0x59: {  	s7 =	rddreg [dreg:$0x11]  }
0x5a: {  	[tilespmem:s7], [sflag:$0x1] =	stream.indirect_vreg.gather [hbm4b:s1+s3], $0x80, v3, vm0, $0xb8;
	[tilespmem:$0x10100] =	vst v63  }
0x5b: {  	v3 =	vld [tilespmem:$0x50];
	_ =	sdelay $0x4  }
0x5c: {  	v53 =	vshll.u32 v3, $0x1  }
0x5d: {  	v3 =	vand.u32 $0x7, v3;
	v4 =	vand.u32 $0xFFFFFFF0, v53  }
0x5e: {  	v3 =	vor.u32 v3, v4  }
0x5f: {  	v4 =	vperm.xlane v3, v0;
	_ =	sdelay $0x1  }
0x60: {  	v3 =	vperm.xlane v3, v2;
	v4 =	vadd.s32 v1, v4;
	_ =	sdelay $0x1  }
0x61: {  	v3 =	vadd.s32 v1, v3;
	_ =	sdelay $0x1  }
0x62: {  	s7 =	rddreg [dreg:$0x12]  }
0x63: {  	[tilespmem:s7], [sflag:$0x1] =	stream.indirect_vreg.gather [hbm4b:s1+s3], $0x80, v4, vm0, $0xb8;
	[tilespmem:$0x10100] =	vst v63  }
0x64: {  	s7 =	simm.s32 $0x5900  }
0x65: {  	[tilespmem:s7], [sflag:$0x1] =	stream.indirect_vreg.gather [hbm4b:s1+s3], $0x80, v3, vm0, $0xb8;
	[tilespmem:$0x10100] =	vst v63  }
0x66: {  	v3 =	vld [tilespmem:$0x60];
	_ =	sdelay $0x4  }
0x67: {  	v54 =	vshll.u32 v3, $0x1  }
0x68: {  	v3 =	vand.u32 $0x7, v3;
	v4 =	vand.u32 $0xFFFFFFF0, v54  }
0x69: {  	v3 =	vor.u32 v3, v4  }
0x6a: {  	v4 =	vperm.xlane v3, v0;
	_ =	sdelay $0x1  }
0x6b: {  	v3 =	vperm.xlane v3, v2;
	v4 =	vadd.s32 v1, v4;
	_ =	sdelay $0x1  }
0x6c: {  	v3 =	vadd.s32 v1, v3;
	_ =	sdelay $0x2  }
0x6d: {  	[tilespmem:s8], [sflag:$0x1] =	stream.indirect_vreg.gather [hbm4b:s1+s3], $0x80, v4, vm0, $0xb8;
	[tilespmem:$0x10100] =	vst v63  }
0x6e: {  	_ = 	snop  }
0x6f: {  	[tilespmem:s9], [sflag:$0x1] =	stream.indirect_vreg.gather [hbm4b:s1+s3], $0x80, v3, vm0, $0xb8;
	[tilespmem:$0x10100] =	vst v63  }
0x70: {  	v3 =	vld [tilespmem:$0x70];
	_ =	sdelay $0x4  }
0x71: {  	v55 =	vshll.u32 v3, $0x1  }
0x72: {  	v3 =	vand.u32 $0x7, v3;
	v4 =	vand.u32 $0xFFFFFFF0, v55  }
0x73: {  	v3 =	vor.u32 v3, v4  }
0x74: {  	v4 =	vperm.xlane v3, v0;
	_ =	sdelay $0x1  }
0x75: {  	v3 =	vperm.xlane v3, v2;
	v4 =	vadd.s32 v1, v4;
	_ =	sdelay $0x1  }
0x76: {  	v3 =	vadd.s32 v1, v3;
	_ =	sdelay $0x2  }
0x77: {  	[tilespmem:s10], [sflag:$0x1] =	stream.indirect_vreg.gather [hbm4b:s1+s3], $0x80, v4, vm0, $0xb8;
	[tilespmem:$0x10100] =	vst v63  }
0x78: {  	_ = 	snop  }
0x79: {  	[tilespmem:s11], [sflag:$0x1] =	stream.indirect_vreg.gather [hbm4b:s1+s3], $0x80, v3, vm0, $0xb8;
	[tilespmem:$0x10100] =	vst v63  }
0x7a: {  	v3 =	vld [tilespmem:$0x80];
	_ =	sdelay $0x4  }
0x7b: {  	v56 =	vshll.u32 v3, $0x1  }
0x7c: {  	v3 =	vand.u32 $0x7, v3;
	v4 =	vand.u32 $0xFFFFFFF0, v56  }
0x7d: {  	v3 =	vor.u32 v3, v4  }
0x7e: {  	v4 =	vperm.xlane v3, v0;
	_ =	sdelay $0x1  }
0x7f: {  	v3 =	vperm.xlane v3, v2;
	v4 =	vadd.s32 v1, v4;
	_ =	sdelay $0x1  }
0x80: {  	v3 =	vadd.s32 v1, v3;
	_ =	sdelay $0x2  }
0x81: {  	[tilespmem:s12], [sflag:$0x2] =	stream.indirect_vreg.gather [hbm4b:s1+s3], $0x80, v4, vm0, $0xb8;
	[tilespmem:$0x10100] =	vst v63  }
0x82: {  	_ = 	snop  }
0x83: {  	[tilespmem:s13], [sflag:$0x2] =	stream.indirect_vreg.gather [hbm4b:s1+s3], $0x80, v3, vm0, $0xb8;
	[tilespmem:$0x10100] =	vst v63  }
0x84: {  	v3 =	vld [tilespmem:$0x90];
	_ =	sdelay $0x4  }
0x85: {  	v57 =	vshll.u32 v3, $0x1  }
0x86: {  	v3 =	vand.u32 $0x7, v3;
	v4 =	vand.u32 $0xFFFFFFF0, v57  }
0x87: {  	v3 =	vor.u32 v3, v4  }
0x88: {  	v4 =	vperm.xlane v3, v0;
	_ =	sdelay $0x1  }
0x89: {  	v3 =	vperm.xlane v3, v2;
	v4 =	vadd.s32 v1, v4;
	_ =	sdelay $0x1  }
0x8a: {  	v3 =	vadd.s32 v1, v3;
	_ =	sdelay $0x2  }
0x8b: {  	[tilespmem:s14], [sflag:$0x2] =	stream.indirect_vreg.gather [hbm4b:s1+s3], $0x80, v4, vm0, $0xb8;
	[tilespmem:$0x10100] =	vst v63  }
0x8c: {  	_ = 	snop  }
0x8d: {  	[tilespmem:s15], [sflag:$0x2] =	stream.indirect_vreg.gather [hbm4b:s1+s3], $0x80, v3, vm0, $0xb8;
	[tilespmem:$0x10100] =	vst v63  }
0x8e: {  	v3 =	vld [tilespmem:$0xA0];
	_ =	sdelay $0x4  }
0x8f: {  	v58 =	vshll.u32 v3, $0x1  }
0x90: {  	v3 =	vand.u32 $0x7, v3;
	v4 =	vand.u32 $0xFFFFFFF0, v58  }
0x91: {  	v3 =	vor.u32 v3, v4  }
0x92: {  	v4 =	vperm.xlane v3, v0;
	_ =	sdelay $0x1  }
0x93: {  	v3 =	vperm.xlane v3, v2;
	v4 =	vadd.s32 v1, v4;
	_ =	sdelay $0x1  }
0x94: {  	v3 =	vadd.s32 v1, v3;
	_ =	sdelay $0x2  }
0x95: {  	[tilespmem:s16], [sflag:$0x2] =	stream.indirect_vreg.gather [hbm4b:s1+s3], $0x80, v4, vm0, $0xb8;
	[tilespmem:$0x10100] =	vst v63  }
0x96: {  	_ = 	snop  }
0x97: {  	[tilespmem:s17], [sflag:$0x2] =	stream.indirect_vreg.gather [hbm4b:s1+s3], $0x80, v3, vm0, $0xb8;
	[tilespmem:$0x10100] =	vst v63  }
0x98: {  	v3 =	vld [tilespmem:$0xB0];
	_ =	sdelay $0x4  }
0x99: {  	v59 =	vshll.u32 v3, $0x1  }
0x9a: {  	v3 =	vand.u32 $0x7, v3;
	v4 =	vand.u32 $0xFFFFFFF0, v59  }
0x9b: {  	v3 =	vor.u32 v3, v4  }
0x9c: {  	v4 =	vperm.xlane v3, v0;
	_ =	sdelay $0x1  }
0x9d: {  	v3 =	vperm.xlane v3, v2;
	v4 =	vadd.s32 v1, v4;
	_ =	sdelay $0x1  }
0x9e: {  	v3 =	vadd.s32 v1, v3;
	_ =	sdelay $0x2  }
0x9f: {  	[tilespmem:s18], [sflag:$0x2] =	stream.indirect_vreg.gather [hbm4b:s1+s3], $0x80, v4, vm0, $0xb8;
	[tilespmem:$0x10100] =	vst v63  }
0xa0: {  	_ = 	snop  }
0xa1: {  	[tilespmem:s19], [sflag:$0x2] =	stream.indirect_vreg.gather [hbm4b:s1+s3], $0x80, v3, vm0, $0xb8;
	[tilespmem:$0x10100] =	vst v63  }
0xa2: {  	v3 =	vld [tilespmem:$0xC0];
	_ =	sdelay $0x4  }
0xa3: {  	v60 =	vshll.u32 v3, $0x1  }
0xa4: {  	v3 =	vand.u32 $0x7, v3;
	v4 =	vand.u32 $0xFFFFFFF0, v60  }
0xa5: {  	v3 =	vor.u32 v3, v4  }
0xa6: {  	v4 =	vperm.xlane v3, v0;
	_ =	sdelay $0x1  }
0xa7: {  	v3 =	vperm.xlane v3, v2;
	v4 =	vadd.s32 v1, v4;
	_ =	sdelay $0x1  }
0xa8: {  	v3 =	vadd.s32 v1, v3;
	_ =	sdelay $0x2  }
0xa9: {  	[tilespmem:s20], [sflag:$0x2] =	stream.indirect_vreg.gather [hbm4b:s1+s3], $0x80, v4, vm0, $0xb8;
	[tilespmem:$0x10100] =	vst v63  }
0xaa: {  	_ = 	snop  }
0xab: {  	[tilespmem:s21], [sflag:$0x2] =	stream.indirect_vreg.gather [hbm4b:s1+s3], $0x80, v3, vm0, $0xb8;
	[tilespmem:$0x10100] =	vst v63  }
0xac: {  	v3 =	vld [tilespmem:$0xD0];
	_ =	sdelay $0x4  }
0xad: {  	v61 =	vshll.u32 v3, $0x1  }
0xae: {  	v3 =	vand.u32 $0x7, v3;
	v4 =	vand.u32 $0xFFFFFFF0, v61  }
0xaf: {  	v3 =	vor.u32 v3, v4  }
0xb0: {  	v4 =	vperm.xlane v3, v0;
	_ =	sdelay $0x1  }
0xb1: {  	v3 =	vperm.xlane v3, v2;
	v4 =	vadd.s32 v1, v4;
	_ =	sdelay $0x1  }
0xb2: {  	v3 =	vadd.s32 v1, v3;
	_ =	sdelay $0x2  }
0xb3: {  	[tilespmem:s22], [sflag:$0x2] =	stream.indirect_vreg.gather [hbm4b:s1+s3], $0x80, v4, vm0, $0xb8;
	[tilespmem:$0x10100] =	vst v63  }
0xb4: {  	_ = 	snop  }
0xb5: {  	[tilespmem:s23], [sflag:$0x2] =	stream.indirect_vreg.gather [hbm4b:s1+s3], $0x80, v3, vm0, $0xb8;
	[tilespmem:$0x10100] =	vst v63  }
0xb6: {  	v3 =	vld [tilespmem:$0xE0];
	_ =	sdelay $0x4  }
0xb7: {  	v62 =	vshll.u32 v3, $0x1  }
0xb8: {  	v3 =	vand.u32 $0x7, v3;
	v4 =	vand.u32 $0xFFFFFFF0, v62  }
0xb9: {  	v3 =	vor.u32 v3, v4  }
0xba: {  	v4 =	vperm.xlane v3, v0;
	_ =	sdelay $0x1  }
0xbb: {  	v3 =	vperm.xlane v3, v2;
	v4 =	vadd.s32 v1, v4;
	_ =	sdelay $0x1  }
0xbc: {  	v3 =	vadd.s32 v1, v3;
	_ =	sdelay $0x2  }
0xbd: {  	[tilespmem:s24], [sflag:$0x2] =	stream.indirect_vreg.gather [hbm4b:s1+s3], $0x80, v4, vm0, $0xb8;
	[tilespmem:$0x10100] =	vst v63  }
0xbe: {  	_ = 	snop  }
0xbf: {  	[tilespmem:s25], [sflag:$0x2] =	stream.indirect_vreg.gather [hbm4b:s1+s3], $0x80, v3, vm0, $0xb8;
	[tilespmem:$0x10100] =	vst v63  }
0xc0: {  	v3 =	vld [tilespmem:$0xF0];
	_ =	sdelay $0x4  }
0xc1: {  	v63 =	vshll.u32 v3, $0x1  }
0xc2: {  	v3 =	vand.u32 $0x7, v3;
	v4 =	vand.u32 $0xFFFFFFF0, v63  }
0xc3: {  	v3 =	vor.u32 v3, v4  }
0xc4: {  	v4 =	vperm.xlane v3, v0;
	_ =	sdelay $0x1  }
0xc5: {  	v3 =	vperm.xlane v3, v2;
	v4 =	vadd.s32 v1, v4;
	_ =	sdelay $0x1  }
0xc6: {  	v3 =	vadd.s32 v1, v3;
	_ =	sdelay $0x2  }
0xc7: {  	[tilespmem:s26], [sflag:$0x2] =	stream.indirect_vreg.gather [hbm4b:s1+s3], $0x80, v4, vm0, $0xb8;
	[tilespmem:$0x10100] =	vst v63  }
0xc8: {  	_ = 	snop  }
0xc9: {  	[tilespmem:s28], [sflag:$0x2] =	stream.indirect_vreg.gather [hbm4b:s1+s3], $0x80, v3, vm0, $0xb8;
	[tilespmem:$0x10100] =	vst v63  }
0xca: {  	_ =	swait.ge [sflag:s29], $0x8000  }
0xcb: {  	[sflag:s29] =	ssyncset.done $0x0  }
0xcc: {  	s7 =	rddreg [dreg:$0x6];
	[sflag:s29] =	ssyncadd.s32 $0xFFFF8000  }
0xcd: {  	[hbm4b:s7+s3] =	stream.linear.scatter [tilespmem:s6], [sflag:$0x3], $0x8000, $0x38;
	[tilespmem:$0x10100] =	vst v63  }
0xce: {  	_ =	swait.ge [sflag:s30], $0x8000  }
0xcf: {  	[sflag:s30] =	ssyncset.done $0x0  }
0xd0: {  	s7 =	rddreg [dreg:$0x7];
	[sflag:s30] =	ssyncadd.s32 $0xFFFF8000  }
0xd1: {  	[hbm4b:s7+s3] =	stream.linear.scatter [tilespmem:s12], [sflag:$0x4], $0x8000, $0x38;
	[tilespmem:$0x10100] =	vst v63  }
0xd2: {  	p0 =	sne.s32 s4, $0x1;
	_ =	swait.ge [sflag:s31], $0x8000  }
.Ltmp0:
0xd3: {  	[sflag:s31] =	ssyncset.done $0x0;
	(pc) =	sbr.rel @p0 .LBB2_1-.Ltmp0, $4  }
0xd4: {  	[sflag:s31] =	ssyncadd.s32 $0xFFFF8000  }
0xd5: {  	_ =	swait.ge [sflag:s2], $0x8000  }
0xd6: {  	[sflag:s2] =	ssyncset.done $0x0  }
0xd7: {  	s4 =	sadd.s32 $0xFFFFFFFF, s4;
	[sflag:s2] =	ssyncadd.s32 $0xFFFF8000  }
0xd8: {  	_ =	sfence.sel $0x180000  }
0xd9: {  	[bflag:$0x0] =	sbarrier.arrive $0xFFFF  }
0xda: {  	_ =	strace $0x9000004A  }
0xdb: {  	s0 =	stileid.u32;
	[bflag:$0x2] =	sbarrier.arrive $0xFFFF  }
0xdc: {  	p0 =	sne.s32 s0, $0x0;
	s0 =	rddreg [dreg:$0x3]  }
0xdd: {  	s0 =	sadd.s32 @!p0 $0x100000, s0  }
0xde: {  	[sflag:s0] =	ssyncadd.tile.s32 @!p0 $0x1;
	_ =	shalt  }
.Lfunc_end2:
_tile_overlayer_lowered:
.L_overlay_start_2:
0xdf: {  	(tag) =	ssettag $0x2  }
0xe0: {  	s0 =	rddreg [dreg:$0x0];
	s2 =	stileid.u32  }
0xe1: {  	s1 =	rddreg [dreg:$0x1];
	p0 =	sne.s32 s2, $0x0  }
0xe2: {  	s3 =	rddreg [dreg:$0x2];
	[bflag:$0x3] =	sbarrier.arrive $0xFFFF;
	s2 =	simm.s32 @!p0 $0x1C05  }
0xe3: {  	[timem:s3], [sflag:s2] =	dma.local @!p0 [hbm:s0], s1  }
0xe4: {  	s0 =	simm.s32 @!p0 $0x5  }
0xe5: {  	_ =	swait.ge @!p0 [sflag:s0], s1  }
0xe6: {  	s1 =	ssub.s32 @!p0 $0x0, s1;
	[sflag:s0] =	ssyncset.done @!p0 $0x0  }
0xe7: {  	[sflag:s0] =	ssyncadd.s32 @!p0 s1  }
0xe8: {  	[bflag:$0x3] =	sbarrier.arrive $0xFFFF  }
0xe9: {  	_ =	shalt  }

// kernel: kernel.8.cloned.1.call-start
scs
__scs_entry_jumppad:
0x0: {  	(pc) =	sbr.rel $0x88, $3  }
0x1: {  	(tag) =	ssettag $0x0;
	lr =	simm.s32 $0x1  }
0x2: {  	[smem:$0x3F86] =	sst lr;
	_ =	strace $0xD0000000  }
0x3: {  	_ = 	snop  }
0x4: {  	_ = 	snop  }
0x5: {  	_ = 	snop  }
0x6: {  	_ = 	snop  }
0x7: {  	_ = 	snop  }
__scs_overlays_trampoline_lowered:
0x8: {  	[smem:$0x3F95] =	sst s0  }
0x9: {  	[smem:$0x3F96] =	sst s1  }
0xa: {  	[smem:$0x3F97] =	sst s2  }
0xb: {  	[smem:$0x3F98] =	sst s3  }
0xc: {  	[smem:$0x3F99] =	sst s4  }
0xd: {  	[smem:$0x3F9A] =	sst s5  }
0xe: {  	[smem:$0x3F9B] =	sst s6  }
0xf: {  	[smem:$0x3F9C] =	sst s7  }
0x10: {  	[smem:$0x3F9D] =	sst s8  }
0x11: {  	[smem:$0x3F9E] =	sst s9;
	s0 =	simm.s32 @!p0 $0x0  }
0x12: {  	s1 =	sld [smem:$0x3F84];
	s0 =	simm.s32 @p0 $0x1  }
0x13: {  	[smem:$0x3F9F] =	sst s0;
	s0 =	simm.s32 @!p1 $0x0  }
0x14: {  	s2 =	sld [smem:$0x3F83];
	s0 =	simm.s32 @p1 $0x1  }
0x15: {  	[smem:$0x3FA0] =	sst s0;
	s0 =	simm.s32 @!p2 $0x0  }
0x16: {  	s3 =	sld [smem:$0x3FDB];
	s0 =	simm.s32 @p2 $0x1  }
0x17: {  	s4 =	simm.s32 $0x1BF5;
	[smem:$0x3FA2] =	sst s0  }
0x18: {  	s0 =	sld [smem:$0x3F85];
	_ =	swait.ge [sflag:s4], $0x0  }
0x19: {  	s7 =	sld [smem:$0x3F86]  }
0x1a: {  	s8 =	sadd.s32 $0xFFFFE003, lr  }
0x1b: {  	s9 =	sadd.s32 $0xFFFFFEF7, lr;
	s5 =	simm.s32 $0xFFFFFFFF;
	p2 =	slt.u32 s8, $0xFFFFF086  }
0x1c: {  	p1 =	slt.u32 s9, $0xF7A;
	s5 =	simm.s32 @!p2 $0x0  }
0x1d: {  	s5 =	simm.s32 @p1 $0x1;
	p0 =	seq.s32 s7, s2  }
0x1e: {  	s7 =	smul.u32 @!p0 $0xF7A, s2;
	p2 =	seq.s32 @!p0 s5, $0x0  }
0x1f: {  	s9 =	smul.u32 $0xF7A, s1;
	s8 =	simm.s32 @!p0 $0x1BF5;
	p2 =	por !p2, p0  }
0x20: {  	[sflag:s8] =	ssyncset.s32 @!p0 $0xFFFFF086;
	s6 =	sadd.s32 @!p0 s3, s7;
	s7 =	simm.s32 @!p0 $0x108  }
0x21: {  	s3 =	sadd.s32 s3, s9;
	s6 =	sadd.s32 @!p0 $0x88, s6;
	s7 =	simm.s32 @p2 $0x1082  }
0x22: {  	[simem:s7], [sflag:s8] =	dma.local @!p0 [hbm:s6], $0xF7A  }
0x23: {  	s9 =	sor.u32 $0xD0000000, s2;
	s6 =	simm.s32 $0x108;
	_ =	swait.ge @!p0 [sflag:s8], $0x0  }
0x24: {  	s3 =	sadd.s32 $0x88, s3;
	s6 =	simm.s32 @!p1 $0x1082;
	[sflag:s4] =	ssyncset.s32 $0xFFFFF086  }
0x25: {  	[simem:s6], [sflag:s4] =	dma.local [hbm:s3], $0xF7A  }
0x26: {  	[smem:$0x3F86] =	sst s1;
	(tag) =	ssettag s2;
	_ =	strace s9  }
0x27: {  	s1 =	sld [smem:$0x3F96]  }
0x28: {  	s2 =	sld [smem:$0x3F97]  }
0x29: {  	s4 =	sld [smem:$0x3F99]  }
0x2a: {  	p0 =	seq.s32 s5, $0x0;
	s5 =	sld [smem:$0x3F9A]  }
0x2b: {  	s6 =	sld [smem:$0x3F9B]  }
0x2c: {  	s7 =	sld [smem:$0x3F9C]  }
0x2d: {  	s3 =	simm.s32 $0x108;
	s8 =	sld [smem:$0x3F9D]  }
0x2e: {  	s3 =	simm.s32 @!p0 $0x1082;
	s9 =	sld [smem:$0x3F9E]  }
0x2f: {  	lr =	sadd.s32 s0, s3;
	s0 =	sld [smem:$0x3F95]  }
0x30: {  	s3 =	sld [smem:$0x3F98]  }
0x31: {  	[smem:$0x3FA1] =	sst s10  }
0x32: {  	s10 =	sld [smem:$0x3F9F];
	_ =	sdelay $0x3  }
0x33: {  	p0 =	seq.s32 s10, $0x1;
	s10 =	sld [smem:$0x3FA1];
	_ =	sdelay $0x3  }
0x34: {  	[smem:$0x3FA1] =	sst s10  }
0x35: {  	s10 =	sld [smem:$0x3FA0];
	_ =	sdelay $0x3  }
0x36: {  	p1 =	seq.s32 s10, $0x1;
	s10 =	sld [smem:$0x3FA1];
	_ =	sdelay $0x3  }
0x37: {  	[smem:$0x3FA1] =	sst s10  }
0x38: {  	s10 =	sld [smem:$0x3FA2]  }
0x39: {  	_ = 	snop;
	(pc) =	sbr.ind lr, $3  }
0x3a: {  	_ = 	snop  }
0x3b: {  	_ = 	snop  }
0x3c: {  	p2 =	seq.s32 s10, $0x1;
	s10 =	sld [smem:$0x3FA1]  }
0x3d: {  	_ =	shalt  }
0x3e: {  	_ =	shalt  }
0x3f: {  	_ =	shalt  }
0x40: {  	_ =	shalt  }
0x41: {  	_ =	shalt  }
0x42: {  	_ =	shalt  }
0x43: {  	_ =	shalt  }
0x44: {  	_ =	shalt  }
0x45: {  	_ =	shalt  }
0x46: {  	_ =	shalt  }
0x47: {  	_ =	shalt  }
0x48: {  	_ =	shalt  }
0x49: {  	_ =	shalt  }
0x4a: {  	_ =	shalt  }
0x4b: {  	_ =	shalt  }
0x4c: {  	_ =	shalt  }
0x4d: {  	_ =	shalt  }
0x4e: {  	_ =	shalt  }
0x4f: {  	_ =	shalt  }
0x50: {  	_ =	shalt  }
0x51: {  	_ =	shalt  }
0x52: {  	_ =	shalt  }
0x53: {  	_ =	shalt  }
0x54: {  	_ =	shalt  }
0x55: {  	_ =	shalt  }
0x56: {  	_ =	shalt  }
0x57: {  	_ =	shalt  }
0x58: {  	_ =	shalt  }
0x59: {  	_ =	shalt  }
0x5a: {  	_ =	shalt  }
0x5b: {  	_ =	shalt  }
0x5c: {  	_ =	shalt  }
0x5d: {  	_ =	shalt  }
0x5e: {  	_ =	shalt  }
0x5f: {  	_ =	shalt  }
0x60: {  	_ =	shalt  }
0x61: {  	_ =	shalt  }
0x62: {  	_ =	shalt  }
0x63: {  	_ =	shalt  }
0x64: {  	_ =	shalt  }
0x65: {  	_ =	shalt  }
0x66: {  	_ =	shalt  }
0x67: {  	_ =	shalt  }
0x68: {  	_ =	shalt  }
0x69: {  	_ =	shalt  }
0x6a: {  	_ =	shalt  }
0x6b: {  	_ =	shalt  }
0x6c: {  	_ =	shalt  }
0x6d: {  	_ =	shalt  }
0x6e: {  	_ =	shalt  }
0x6f: {  	_ =	shalt  }
0x70: {  	_ =	shalt  }
0x71: {  	_ =	shalt  }
0x72: {  	_ =	shalt  }
0x73: {  	_ =	shalt  }
0x74: {  	_ =	shalt  }
0x75: {  	_ =	shalt  }
0x76: {  	_ =	shalt  }
0x77: {  	_ =	shalt  }
0x78: {  	_ =	shalt  }
0x79: {  	_ =	shalt  }
0x7a: {  	_ =	shalt  }
0x7b: {  	_ =	shalt  }
0x7c: {  	_ =	shalt  }
0x7d: {  	_ =	shalt  }
0x7e: {  	_ =	shalt  }
0x7f: {  	_ =	shalt  }
0x80: {  	_ =	shalt  }
0x81: {  	_ =	shalt  }
0x82: {  	_ =	shalt  }
0x83: {  	_ =	shalt  }
0x84: {  	_ =	shalt  }
0x85: {  	_ =	shalt  }
0x86: {  	_ =	shalt  }
0x87: {  	_ =	shalt  }
.Lfunc_end0:
.L_simem_size_0:
called_computation_lowered:
.L_overlay_start_0:
0x88: {  	s2 =	sld [smem:$0x3FD9]  }
0x89: {  	s3 =	sld [smem:$0x3FFE];
	_ =	sdelay $0x1  }
0x8a: {  	s1 =	srdreg.scid  }
0x8b: {  	s0 =	sand.u32 $0x1, s1  }
0x8c: {  	s15 =	sshll.u32 s0, $0xA;
	s2 =	sadd.s32 s3, s2  }
0x8d: {  	s2 =	sadd.s32 s2, s15  }
0x8e: {  	[smem:$0x3FAD] =	sst s2  }
0x8f: {  	_ = 	snop  }
0x90: {  	s2 =	sld [smem:$0x3FD0];
	_ =	sdelay $0x2  }
0x91: {  	s4 =	simm.s32 $0xB;
	s5 =	simm.s32 $0x10;
	s16 =	sld [smem:$0x3FAF]  }
0x92: {  	[smem:s5], [sflag:s4] =	dma.local [hbm:s2], $0x1  }
0x93: {  	_ =	swait.eq [sflag:s4], $0x1  }
0x94: {  	[sflag:s4] =	ssyncset.done $0x0  }
0x95: {  	s17 =	sld [smem:$0x12];
	[sflag:s4] =	ssyncadd.s32 $0xFFFFFFFF  }
0x96: {  	s18 =	sld [smem:$0x14];
	(tm) =	ssettm $0x1  }
0x97: {  	s19 =	sld [smem:$0x3FFB];
	_ =	sdelay $0x3  }
0x98: {  	_ =	strace s19  }
0x99: {  	s5 =	sld [smem:$0x3FFC];
	_ =	sdelay $0x3  }
0x9a: {  	_ =	strace s5  }
0x9b: {  	s5 =	sld [smem:$0x3FFD];
	_ =	sdelay $0x3  }
0x9c: {  	_ =	strace s5  }
0x9d: {  	_ =	strace $0x8FFFFFFF  }
0x9e: {  	s20 =	sld [smem:$0x3FDB];
	_ =	sdelay $0x1  }
0x9f: {  	s6 =	simm.s32 $_scs_section_size  }
0xa0: {  	s7 =	simm.s32 $_size__tile_overlayer_lowered;
	s8 =	simm.s32 $_tile_overlayer_lowered  }
0xa1: {  	s23 =	simm.s32 $0x1BFF;
	s22 =	sshll.u32 s8, $0x1;
	s5 =	sadd.s32 s6, s20  }
0xa2: {  	s9 =	simm.s32 $0x0;
	s21 =	sshll.u32 s7, $0x1;
	s7 =	sadd.s32 s22, s5  }
0xa3: {  	[timem:s9], [sflag:s23] =	dma.local [hbm:s7], s21  }
0xa4: {  	_ =	swait.ge [sflag:s23], s21  }
0xa5: {  	s6 =	ssub.s32 $0x0, s21;
	[sflag:s23] =	ssyncset.done $0x0  }
0xa6: {  	[sflag:s23] =	ssyncadd.s32 s6;
	_ =	sdelay $0x1  }
0xa7: {  	s24 =	simm.s32 $0x1B8B  }
0xa8: {  	_ =	swait.ge [sflag:s24], $0x1  }
0xa9: {  	[sflag:s24] =	ssyncset.done $0x0  }
0xaa: {  	s25 =	simm.s32 $0x1B8E;
	[sflag:s24] =	ssyncadd.s32 $0xFFFFFFFF  }
0xab: {  	s26 =	simm.s32 $execute0_lowered;
	[smem:$0x3FD2] =	sst s25  }
0xac: {  	s6 =	sshll.u32 s26, $0x1;
	_ =	strace $0x80000046;
	[dreg:$0x1] =	wrdreg $0xFFFFFFFF  }
0xad: {  	s28 =	simm.s32 $_size_execute0_lowered;
	s5 =	sadd.s32 s5, s6;
	[dreg:$0x0] =	wrdreg $0x0  }
0xae: {  	s6 =	sshll.u32 s28, $0x1;
	[dreg:$0x2] =	wrdreg s5  }
0xaf: {  	[dreg:$0x3] =	wrdreg s6  }
0xb0: {  	[dreg:$0x4] =	wrdreg $0xC0  }
0xb1: {  	_ =	task [dreg:s9], $0x5FFFF  }
0xb2: {  	[dreg:$0x1] =	wrdreg $0xFFFFFFFF  }
0xb3: {  	[dreg:$0x0] =	wrdreg $0x60  }
0xb4: {  	[dreg:$0x2] =	wrdreg s16  }
0xb5: {  	[dreg:$0x3] =	wrdreg s18  }
0xb6: {  	[dreg:$0x4] =	wrdreg s17  }
0xb7: {  	[dreg:$0x5] =	wrdreg $0x9  }
0xb8: {  	_ =	task.clear_ibuf [dreg:s9], $0x6FFFF;
	_ =	strace $0x90000046  }
0xb9: {  	s29 =	simm.s32 $0x9;
	_ =	strace $0x80000048  }
0xba: {  	_ =	swait.ge [sflag:s29], $0x1  }
0xbb: {  	[sflag:s29] =	ssyncadd.s32 $0xFFFFFFFF  }
0xbc: {  	_ =	strace $0x90000048  }
0xbd: {  	_ =	sfence  }
0xbe: {  	s30 =	sld [smem:$0x0];
	_ =	sdelay $0x2  }
0xbf: {  	s31 =	sshll.u32 s1, $0xD;
	s1 =	sshrl.u32 s1, $0x2  }
0xc0: {  	s3 =	sand.u32 $0x4000, s31;
	s1 =	sadd.s32 s1, s30  }
0xc1: {  	s0 =	sor.u32 s3, s0;
	s1 =	sshll.u32 s1, $0x11  }
0xc2: {  	s0 =	sor.u32 s1, s0  }
0xc3: {  	s0 =	sadd.s32 $0x8F2B, s0  }
0xc4: {  	[sflag:s0] =	ssyncadd.remote.s32 $0x1  }
0xc5: {  	_ =	sfence.sel $0xFFFF  }
0xc6: {  	[dreg:$0x0] =	wrdreg $0xFFFFFFFF;
	(pc) =	sbr.abs _section_cstart, $3  }
0xc7: {  	[dreg:$0x1] =	wrdreg $0xFFFFFFFF  }
0xc8: {  	_ =	task.clear_ibuf [dreg:s9], $0x2FFFF;
	_ =	strace $0x9FFFFFFF  }
0xc9: {  	(tm) =	ssettm $0x7FFFFFFF  }
tec
execute0_lowered:
.L_overlay_start_1:
0x0: {  	(tag) =	ssettag $0x1  }
0x1: {  	s1 =	rddreg [dreg:$0x0]  }
0x2: {  	s4 =	rddreg [dreg:$0x1]  }
0x3: {  	s2 =	srdreg.scid;
	s5 =	rddreg [dreg:$0x2];
	s3 =	simm.s32 $0x0  }
0x4: {  	s0 =	stileid.u32;
	s15 =	simm.s32 $0x80;
	[smem:$0x7FF] =	sst s3  }
0x5: {  	s16 =	simm.s32 $0x900;
	_ =	strace $0x80000047;
	[dreg:$0x8] =	wrdreg s15  }
0x6: {  	s17 =	simm.s32 $0x1100;
	s18 =	simm.s32 $0x1900;
	[dreg:$0x9] =	wrdreg s16  }
0x7: {  	s19 =	simm.s32 $0x2100;
	s20 =	simm.s32 $0x2900;
	[dreg:$0xa] =	wrdreg s17  }
0x8: {  	s21 =	simm.s32 $0x3100;
	s23 =	simm.s32 $0x3900;
	[dreg:$0xb] =	wrdreg s18  }
0x9: {  	s24 =	simm.s32 $0x4100;
	s25 =	simm.s32 $0x4900;
	[dreg:$0xc] =	wrdreg s19  }
0xa: {  	s26 =	simm.s32 $0x5100;
	s10 =	simm.s32 $0x7100;
	[dreg:$0xd] =	wrdreg s20  }
0xb: {  	s11 =	simm.s32 $0x7900;
	s28 =	simm.s32 $0xF900;
	[dreg:$0xe] =	wrdreg s21  }
0xc: {  	s29 =	simm.s32 $0x1;
	s30 =	simm.s32 $0x2;
	[dreg:$0xf] =	wrdreg s23  }
0xd: {  	s31 =	simm.s32 $0x3;
	s2 =	sand.u32 $0x1, s2;
	[dreg:$0x10] =	wrdreg s24  }
0xe: {  	s6 =	sshll.u32 s0, $0x9;
	s7 =	sshll.u32 s2, $0x8;
	[dreg:$0x11] =	wrdreg s25  }
0xf: {  	s2 =	ssub.s32 $0x2, s2;
	[dreg:$0x12] =	wrdreg s26;
	s15 =	simm.s32 $0x9900  }
0x10: {  	s16 =	simm.s32 $0xA100;
	s17 =	simm.s32 $0xA900;
	s18 =	simm.s32 $0xB100  }
0x11: {  	s19 =	simm.s32 $0xB900;
	s20 =	simm.s32 $0xC100;
	s21 =	simm.s32 $0xC900  }
0x12: {  	s23 =	simm.s32 $0xD900;
	s24 =	simm.s32 $0xE100;
	s25 =	simm.s32 $0xE900  }
0x13: {  	s26 =	simm.s32 $0xF100;
	s6 =	sor.u32 s7, s6;
	s22 =	sshrl.u32 s2, $0x1  }
0x14: {  	s7 =	sshrl.u32 s6, $0x3;
	s8 =	sor.u32 $0x80, s6;
	s6 =	sshll.u32 s6, $0x5  }
0x15: {  	s2 =	ssub.s32 s2, s22;
	s22 =	simm.s32 $0xD100;
	s7 =	sadd.s32 s4, s7  }
0x16: {  	s9 =	sshrl.u32 s8, $0x3;
	s12 =	sadd.s32 s5, s6;
	s13 =	sshll.u32 s8, $0x5  }
0x17: {  	s6 =	simm.s32 $0x100;
	s8 =	simm.s32 $0x6100;
	[dreg:$0x4] =	wrdreg s7  }
0x18: {  	s4 =	sadd.s32 s4, s9;
	[dreg:$0x6] =	wrdreg s12;
	s14 =	sadd.s32 s5, s13  }
0x19: {  	v2 =	vlaneseq.u32;
	s5 =	simm.s32 $0x5;
	s9 =	simm.s32 $0x6900;
	[dreg:$0x5] =	wrdreg s4  }
0x1a: {  	vm0 =	vmmov $0xffff;
	v1 =	vshrl.u32 v2, $0x3;
	s12 =	simm.s32 $0x8100;
	s13 =	simm.s32 $0x8900;
	[dreg:$0x7] =	wrdreg s14  }
0x1b: {  	v0 =	vand.u32 $0x7, v2;
	v2 =	vor.u32 $0x8, v2;
	v1 =	vmul.u32 $0x8, v1;
	s4 =	smax.u32 s2, $0x1;
	s14 =	simm.s32 $0x9100;
	s2 =	simm.s32 $0x4  }
.LBB2_1:
0x1c: {  	s0 =	rddreg [dreg:$0x4]  }
0x1d: {  	[tilespmem:s3], [sflag:$0x5] =	stream.linear.gather [hbm4b:s0+s3], $0x80, $0x38;
	[tilespmem:$0x10100] =	vst v63  }
0x1e: {  	_ =	swait.ge [sflag:s5], $0x80  }
0x1f: {  	s0 =	rddreg [dreg:$0x5];
	[sflag:s5] =	ssyncset.done $0x0  }
0x20: {  	s7 =	rddreg [dreg:$0x8];
	[sflag:s5] =	ssyncadd.s32 $0xFFFFFF80  }
0x21: {  	[tilespmem:s7], [sflag:$0x5] =	stream.linear.gather [hbm4b:s0+s3], $0x80, $0x38;
	[tilespmem:$0x10100] =	vst v63  }
0x22: {  	_ =	swait.ge [sflag:s5], $0x80  }
0x23: {  	[sflag:s5] =	ssyncset.done $0x0  }
0x24: {  	[sflag:s5] =	ssyncadd.s32 $0xFFFFFF80  }
0x25: {  	v3 =	vld [tilespmem:$0x0];
	_ =	sdelay $0x4  }
0x26: {  	v4 =	vshll.u32 v3, $0x1  }
0x27: {  	v3 =	vand.u32 $0x7, v3;
	v4 =	vand.u32 $0xFFFFFFF0, v4  }
0x28: {  	v3 =	vor.u32 v3, v4  }
0x29: {  	v4 =	vperm.xlane v3, v0;
	_ =	sdelay $0x1  }
0x2a: {  	v3 =	vperm.xlane v3, v2;
	v4 =	vadd.s32 v1, v4;
	_ =	sdelay $0x1  }
0x2b: {  	v3 =	vadd.s32 v1, v3;
	_ =	sdelay $0x2  }
0x2c: {  	[tilespmem:s6], [sflag:$0x1] =	stream.indirect_vreg.gather [hbm4b:s1+s3], $0x80, v4, vm0, $0xb8;
	[tilespmem:$0x10100] =	vst v63  }
0x2d: {  	s7 =	rddreg [dreg:$0x9]  }
0x2e: {  	[tilespmem:s7], [sflag:$0x1] =	stream.indirect_vreg.gather [hbm4b:s1+s3], $0x80, v3, vm0, $0xb8;
	[tilespmem:$0x10100] =	vst v63  }
0x2f: {  	v3 =	vld [tilespmem:$0x10];
	_ =	sdelay $0x4  }
0x30: {  	v49 =	vshll.u32 v3, $0x1  }
0x31: {  	v3 =	vand.u32 $0x7, v3;
	v4 =	vand.u32 $0xFFFFFFF0, v49  }
0x32: {  	v3 =	vor.u32 v3, v4  }
0x33: {  	v4 =	vperm.xlane v3, v0;
	_ =	sdelay $0x1  }
0x34: {  	v3 =	vperm.xlane v3, v2;
	v4 =	vadd.s32 v1, v4;
	_ =	sdelay $0x1  }
0x35: {  	v3 =	vadd.s32 v1, v3;
	_ =	sdelay $0x1  }
0x36: {  	s0 =	rddreg [dreg:$0xa]  }
0x37: {  	[tilespmem:s0], [sflag:$0x1] =	stream.indirect_vreg.gather [hbm4b:s1+s3], $0x80, v4, vm0, $0xb8;
	[tilespmem:$0x10100] =	vst v63  }
0x38: {  	s7 =	rddreg [dreg:$0xb]  }
0x39: {  	[tilespmem:s7], [sflag:$0x1] =	stream.indirect_vreg.gather [hbm4b:s1+s3], $0x80, v3, vm0, $0xb8;
	[tilespmem:$0x10100] =	vst v63  }
0x3a: {  	v3 =	vld [tilespmem:$0x20];
	_ =	sdelay $0x4  }
0x3b: {  	v50 =	vshll.u32 v3, $0x1  }
0x3c: {  	v3 =	vand.u32 $0x7, v3;
	v4 =	vand.u32 $0xFFFFFFF0, v50  }
0x3d: {  	v3 =	vor.u32 v3, v4  }
0x3e: {  	v4 =	vperm.xlane v3, v0;
	_ =	sdelay $0x1  }
0x3f: {  	v3 =	vperm.xlane v3, v2;
	v4 =	vadd.s32 v1, v4;
	_ =	sdelay $0x1  }
0x40: {  	v3 =	vadd.s32 v1, v3;
	_ =	sdelay $0x1  }
0x41: {  	s0 =	rddreg [dreg:$0xc]  }
0x42: {  	[tilespmem:s0], [sflag:$0x1] =	stream.indirect_vreg.gather [hbm4b:s1+s3], $0x80, v4, vm0, $0xb8;
	[tilespmem:$0x10100] =	vst v63  }
0x43: {  	s7 =	rddreg [dreg:$0xd]  }
0x44: {  	[tilespmem:s7], [sflag:$0x1] =	stream.indirect_vreg.gather [hbm4b:s1+s3], $0x80, v3, vm0, $0xb8;
	[tilespmem:$0x10100] =	vst v63  }
0x45: {  	v3 =	vld [tilespmem:$0x30];
	_ =	sdelay $0x4  }
0x46: {  	v51 =	vshll.u32 v3, $0x1  }
0x47: {  	v3 =	vand.u32 $0x7, v3;
	v4 =	vand.u32 $0xFFFFFFF0, v51  }
0x48: {  	v3 =	vor.u32 v3, v4  }
0x49: {  	v4 =	vperm.xlane v3, v0;
	_ =	sdelay $0x1  }
0x4a: {  	v3 =	vperm.xlane v3, v2;
	v4 =	vadd.s32 v1, v4;
	_ =	sdelay $0x1  }
0x4b: {  	v3 =	vadd.s32 v1, v3;
	_ =	sdelay $0x1  }
0x4c: {  	s0 =	rddreg [dreg:$0xe]  }
0x4d: {  	[tilespmem:s0], [sflag:$0x1] =	stream.indirect_vreg.gather [hbm4b:s1+s3], $0x80, v4, vm0, $0xb8;
	[tilespmem:$0x10100] =	vst v63  }
0x4e: {  	s7 =	rddreg [dreg:$0xf]  }
0x4f: {  	[tilespmem:s7], [sflag:$0x1] =	stream.indirect_vreg.gather [hbm4b:s1+s3], $0x80, v3, vm0, $0xb8;
	[tilespmem:$0x10100] =	vst v63  }
0x50: {  	v3 =	vld [tilespmem:$0x40];
	_ =	sdelay $0x4  }
0x51: {  	v52 =	vshll.u32 v3, $0x1  }
0x52: {  	v3 =	vand.u32 $0x7, v3;
	v4 =	vand.u32 $0xFFFFFFF0, v52  }
0x53: {  	v3 =	vor.u32 v3, v4  }
0x54: {  	v4 =	vperm.xlane v3, v0;
	_ =	sdelay $0x1  }
0x55: {  	v3 =	vperm.xlane v3, v2;
	v4 =	vadd.s32 v1, v4;
	_ =	sdelay $0x1  }
0x56: {  	v3 =	vadd.s32 v1, v3;
	_ =	sdelay $0x1  }
0x57: {  	s0 =	rddreg [dreg:$0x10]  }
0x58: {  	[tilespmem:s0], [sflag:$0x1] =	stream.indirect_vreg.gather [hbm4b:s1+s3], $0x80, v4, vm0, $0xb8;
	[tilespmem:$0x10100] =	vst v63  }
0x59: {  	s7 =	rddreg [dreg:$0x11]  }
0x5a: {  	[tilespmem:s7], [sflag:$0x1] =	stream.indirect_vreg.gather [hbm4b:s1+s3], $0x80, v3, vm0, $0xb8;
	[tilespmem:$0x10100] =	vst v63  }
0x5b: {  	v3 =	vld [tilespmem:$0x50];
	_ =	sdelay $0x4  }
0x5c: {  	v53 =	vshll.u32 v3, $0x1  }
0x5d: {  	v3 =	vand.u32 $0x7, v3;
	v4 =	vand.u32 $0xFFFFFFF0, v53  }
0x5e: {  	v3 =	vor.u32 v3, v4  }
0x5f: {  	v4 =	vperm.xlane v3, v0;
	_ =	sdelay $0x1  }
0x60: {  	v3 =	vperm.xlane v3, v2;
	v4 =	vadd.s32 v1, v4;
	_ =	sdelay $0x1  }
0x61: {  	v3 =	vadd.s32 v1, v3;
	_ =	sdelay $0x1  }
0x62: {  	s7 =	rddreg [dreg:$0x12]  }
0x63: {  	[tilespmem:s7], [sflag:$0x1] =	stream.indirect_vreg.gather [hbm4b:s1+s3], $0x80, v4, vm0, $0xb8;
	[tilespmem:$0x10100] =	vst v63  }
0x64: {  	s7 =	simm.s32 $0x5900  }
0x65: {  	[tilespmem:s7], [sflag:$0x1] =	stream.indirect_vreg.gather [hbm4b:s1+s3], $0x80, v3, vm0, $0xb8;
	[tilespmem:$0x10100] =	vst v63  }
0x66: {  	v3 =	vld [tilespmem:$0x60];
	_ =	sdelay $0x4  }
0x67: {  	v54 =	vshll.u32 v3, $0x1  }
0x68: {  	v3 =	vand.u32 $0x7, v3;
	v4 =	vand.u32 $0xFFFFFFF0, v54  }
0x69: {  	v3 =	vor.u32 v3, v4  }
0x6a: {  	v4 =	vperm.xlane v3, v0;
	_ =	sdelay $0x1  }
0x6b: {  	v3 =	vperm.xlane v3, v2;
	v4 =	vadd.s32 v1, v4;
	_ =	sdelay $0x1  }
0x6c: {  	v3 =	vadd.s32 v1, v3;
	_ =	sdelay $0x2  }
0x6d: {  	[tilespmem:s8], [sflag:$0x1] =	stream.indirect_vreg.gather [hbm4b:s1+s3], $0x80, v4, vm0, $0xb8;
	[tilespmem:$0x10100] =	vst v63  }
0x6e: {  	_ = 	snop  }
0x6f: {  	[tilespmem:s9], [sflag:$0x1] =	stream.indirect_vreg.gather [hbm4b:s1+s3], $0x80, v3, vm0, $0xb8;
	[tilespmem:$0x10100] =	vst v63  }
0x70: {  	v3 =	vld [tilespmem:$0x70];
	_ =	sdelay $0x4  }
0x71: {  	v55 =	vshll.u32 v3, $0x1  }
0x72: {  	v3 =	vand.u32 $0x7, v3;
	v4 =	vand.u32 $0xFFFFFFF0, v55  }
0x73: {  	v3 =	vor.u32 v3, v4  }
0x74: {  	v4 =	vperm.xlane v3, v0;
	_ =	sdelay $0x1  }
0x75: {  	v3 =	vperm.xlane v3, v2;
	v4 =	vadd.s32 v1, v4;
	_ =	sdelay $0x1  }
0x76: {  	v3 =	vadd.s32 v1, v3;
	_ =	sdelay $0x2  }
0x77: {  	[tilespmem:s10], [sflag:$0x1] =	stream.indirect_vreg.gather [hbm4b:s1+s3], $0x80, v4, vm0, $0xb8;
	[tilespmem:$0x10100] =	vst v63  }
0x78: {  	_ = 	snop  }
0x79: {  	[tilespmem:s11], [sflag:$0x1] =	stream.indirect_vreg.gather [hbm4b:s1+s3], $0x80, v3, vm0, $0xb8;
	[tilespmem:$0x10100] =	vst v63  }
0x7a: {  	v3 =	vld [tilespmem:$0x80];
	_ =	sdelay $0x4  }
0x7b: {  	v56 =	vshll.u32 v3, $0x1  }
0x7c: {  	v3 =	vand.u32 $0x7, v3;
	v4 =	vand.u32 $0xFFFFFFF0, v56  }
0x7d: {  	v3 =	vor.u32 v3, v4  }
0x7e: {  	v4 =	vperm.xlane v3, v0;
	_ =	sdelay $0x1  }
0x7f: {  	v3 =	vperm.xlane v3, v2;
	v4 =	vadd.s32 v1, v4;
	_ =	sdelay $0x1  }
0x80: {  	v3 =	vadd.s32 v1, v3;
	_ =	sdelay $0x2  }
0x81: {  	[tilespmem:s12], [sflag:$0x2] =	stream.indirect_vreg.gather [hbm4b:s1+s3], $0x80, v4, vm0, $0xb8;
	[tilespmem:$0x10100] =	vst v63  }
0x82: {  	_ = 	snop  }
0x83: {  	[tilespmem:s13], [sflag:$0x2] =	stream.indirect_vreg.gather [hbm4b:s1+s3], $0x80, v3, vm0, $0xb8;
	[tilespmem:$0x10100] =	vst v63  }
0x84: {  	v3 =	vld [tilespmem:$0x90];
	_ =	sdelay $0x4  }
0x85: {  	v57 =	vshll.u32 v3, $0x1  }
0x86: {  	v3 =	vand.u32 $0x7, v3;
	v4 =	vand.u32 $0xFFFFFFF0, v57  }
0x87: {  	v3 =	vor.u32 v3, v4  }
0x88: {  	v4 =	vperm.xlane v3, v0;
	_ =	sdelay $0x1  }
0x89: {  	v3 =	vperm.xlane v3, v2;
	v4 =	vadd.s32 v1, v4;
	_ =	sdelay $0x1  }
0x8a: {  	v3 =	vadd.s32 v1, v3;
	_ =	sdelay $0x2  }
0x8b: {  	[tilespmem:s14], [sflag:$0x2] =	stream.indirect_vreg.gather [hbm4b:s1+s3], $0x80, v4, vm0, $0xb8;
	[tilespmem:$0x10100] =	vst v63  }
0x8c: {  	_ = 	snop  }
0x8d: {  	[tilespmem:s15], [sflag:$0x2] =	stream.indirect_vreg.gather [hbm4b:s1+s3], $0x80, v3, vm0, $0xb8;
	[tilespmem:$0x10100] =	vst v63  }
0x8e: {  	v3 =	vld [tilespmem:$0xA0];
	_ =	sdelay $0x4  }
0x8f: {  	v58 =	vshll.u32 v3, $0x1  }
0x90: {  	v3 =	vand.u32 $0x7, v3;
	v4 =	vand.u32 $0xFFFFFFF0, v58  }
0x91: {  	v3 =	vor.u32 v3, v4  }
0x92: {  	v4 =	vperm.xlane v3, v0;
	_ =	sdelay $0x1  }
0x93: {  	v3 =	vperm.xlane v3, v2;
	v4 =	vadd.s32 v1, v4;
	_ =	sdelay $0x1  }
0x94: {  	v3 =	vadd.s32 v1, v3;
	_ =	sdelay $0x2  }
0x95: {  	[tilespmem:s16], [sflag:$0x2] =	stream.indirect_vreg.gather [hbm4b:s1+s3], $0x80, v4, vm0, $0xb8;
	[tilespmem:$0x10100] =	vst v63  }
0x96: {  	_ = 	snop  }
0x97: {  	[tilespmem:s17], [sflag:$0x2] =	stream.indirect_vreg.gather [hbm4b:s1+s3], $0x80, v3, vm0, $0xb8;
	[tilespmem:$0x10100] =	vst v63  }
0x98: {  	v3 =	vld [tilespmem:$0xB0];
	_ =	sdelay $0x4  }
0x99: {  	v59 =	vshll.u32 v3, $0x1  }
0x9a: {  	v3 =	vand.u32 $0x7, v3;
	v4 =	vand.u32 $0xFFFFFFF0, v59  }
0x9b: {  	v3 =	vor.u32 v3, v4  }
0x9c: {  	v4 =	vperm.xlane v3, v0;
	_ =	sdelay $0x1  }
0x9d: {  	v3 =	vperm.xlane v3, v2;
	v4 =	vadd.s32 v1, v4;
	_ =	sdelay $0x1  }
0x9e: {  	v3 =	vadd.s32 v1, v3;
	_ =	sdelay $0x2  }
0x9f: {  	[tilespmem:s18], [sflag:$0x2] =	stream.indirect_vreg.gather [hbm4b:s1+s3], $0x80, v4, vm0, $0xb8;
	[tilespmem:$0x10100] =	vst v63  }
0xa0: {  	_ = 	snop  }
0xa1: {  	[tilespmem:s19], [sflag:$0x2] =	stream.indirect_vreg.gather [hbm4b:s1+s3], $0x80, v3, vm0, $0xb8;
	[tilespmem:$0x10100] =	vst v63  }
0xa2: {  	v3 =	vld [tilespmem:$0xC0];
	_ =	sdelay $0x4  }
0xa3: {  	v60 =	vshll.u32 v3, $0x1  }
0xa4: {  	v3 =	vand.u32 $0x7, v3;
	v4 =	vand.u32 $0xFFFFFFF0, v60  }
0xa5: {  	v3 =	vor.u32 v3, v4  }
0xa6: {  	v4 =	vperm.xlane v3, v0;
	_ =	sdelay $0x1  }
0xa7: {  	v3 =	vperm.xlane v3, v2;
	v4 =	vadd.s32 v1, v4;
	_ =	sdelay $0x1  }
0xa8: {  	v3 =	vadd.s32 v1, v3;
	_ =	sdelay $0x2  }
0xa9: {  	[tilespmem:s20], [sflag:$0x2] =	stream.indirect_vreg.gather [hbm4b:s1+s3], $0x80, v4, vm0, $0xb8;
	[tilespmem:$0x10100] =	vst v63  }
0xaa: {  	_ = 	snop  }
0xab: {  	[tilespmem:s21], [sflag:$0x2] =	stream.indirect_vreg.gather [hbm4b:s1+s3], $0x80, v3, vm0, $0xb8;
	[tilespmem:$0x10100] =	vst v63  }
0xac: {  	v3 =	vld [tilespmem:$0xD0];
	_ =	sdelay $0x4  }
0xad: {  	v61 =	vshll.u32 v3, $0x1  }
0xae: {  	v3 =	vand.u32 $0x7, v3;
	v4 =	vand.u32 $0xFFFFFFF0, v61  }
0xaf: {  	v3 =	vor.u32 v3, v4  }
0xb0: {  	v4 =	vperm.xlane v3, v0;
	_ =	sdelay $0x1  }
0xb1: {  	v3 =	vperm.xlane v3, v2;
	v4 =	vadd.s32 v1, v4;
	_ =	sdelay $0x1  }
0xb2: {  	v3 =	vadd.s32 v1, v3;
	_ =	sdelay $0x2  }
0xb3: {  	[tilespmem:s22], [sflag:$0x2] =	stream.indirect_vreg.gather [hbm4b:s1+s3], $0x80, v4, vm0, $0xb8;
	[tilespmem:$0x10100] =	vst v63  }
0xb4: {  	_ = 	snop  }
0xb5: {  	[tilespmem:s23], [sflag:$0x2] =	stream.indirect_vreg.gather [hbm4b:s1+s3], $0x80, v3, vm0, $0xb8;
	[tilespmem:$0x10100] =	vst v63  }
0xb6: {  	v3 =	vld [tilespmem:$0xE0];
	_ =	sdelay $0x4  }
0xb7: {  	v62 =	vshll.u32 v3, $0x1  }
0xb8: {  	v3 =	vand.u32 $0x7, v3;
	v4 =	vand.u32 $0xFFFFFFF0, v62  }
0xb9: {  	v3 =	vor.u32 v3, v4  }
0xba: {  	v4 =	vperm.xlane v3, v0;
	_ =	sdelay $0x1  }
0xbb: {  	v3 =	vperm.xlane v3, v2;
	v4 =	vadd.s32 v1, v4;
	_ =	sdelay $0x1  }
0xbc: {  	v3 =	vadd.s32 v1, v3;
	_ =	sdelay $0x2  }
0xbd: {  	[tilespmem:s24], [sflag:$0x2] =	stream.indirect_vreg.gather [hbm4b:s1+s3], $0x80, v4, vm0, $0xb8;
	[tilespmem:$0x10100] =	vst v63  }
0xbe: {  	_ = 	snop  }
0xbf: {  	[tilespmem:s25], [sflag:$0x2] =	stream.indirect_vreg.gather [hbm4b:s1+s3], $0x80, v3, vm0, $0xb8;
	[tilespmem:$0x10100] =	vst v63  }
0xc0: {  	v3 =	vld [tilespmem:$0xF0];
	_ =	sdelay $0x4  }
0xc1: {  	v63 =	vshll.u32 v3, $0x1  }
0xc2: {  	v3 =	vand.u32 $0x7, v3;
	v4 =	vand.u32 $0xFFFFFFF0, v63  }
0xc3: {  	v3 =	vor.u32 v3, v4  }
0xc4: {  	v4 =	vperm.xlane v3, v0;
	_ =	sdelay $0x1  }
0xc5: {  	v3 =	vperm.xlane v3, v2;
	v4 =	vadd.s32 v1, v4;
	_ =	sdelay $0x1  }
0xc6: {  	v3 =	vadd.s32 v1, v3;
	_ =	sdelay $0x2  }
0xc7: {  	[tilespmem:s26], [sflag:$0x2] =	stream.indirect_vreg.gather [hbm4b:s1+s3], $0x80, v4, vm0, $0xb8;
	[tilespmem:$0x10100] =	vst v63  }
0xc8: {  	_ = 	snop  }
0xc9: {  	[tilespmem:s28], [sflag:$0x2] =	stream.indirect_vreg.gather [hbm4b:s1+s3], $0x80, v3, vm0, $0xb8;
	[tilespmem:$0x10100] =	vst v63  }
0xca: {  	_ =	swait.ge [sflag:s29], $0x8000  }
0xcb: {  	[sflag:s29] =	ssyncset.done $0x0  }
0xcc: {  	s7 =	rddreg [dreg:$0x6];
	[sflag:s29] =	ssyncadd.s32 $0xFFFF8000  }
0xcd: {  	[hbm4b:s7+s3] =	stream.linear.scatter [tilespmem:s6], [sflag:$0x3], $0x8000, $0x38;
	[tilespmem:$0x10100] =	vst v63  }
0xce: {  	_ =	swait.ge [sflag:s30], $0x8000  }
0xcf: {  	[sflag:s30] =	ssyncset.done $0x0  }
0xd0: {  	s7 =	rddreg [dreg:$0x7];
	[sflag:s30] =	ssyncadd.s32 $0xFFFF8000  }
0xd1: {  	[hbm4b:s7+s3] =	stream.linear.scatter [tilespmem:s12], [sflag:$0x4], $0x8000, $0x38;
	[tilespmem:$0x10100] =	vst v63  }
0xd2: {  	p0 =	sne.s32 s4, $0x1;
	_ =	swait.ge [sflag:s31], $0x8000  }
.Ltmp0:
0xd3: {  	[sflag:s31] =	ssyncset.done $0x0;
	(pc) =	sbr.rel @p0 .LBB2_1-.Ltmp0, $4  }
0xd4: {  	[sflag:s31] =	ssyncadd.s32 $0xFFFF8000  }
0xd5: {  	_ =	swait.ge [sflag:s2], $0x8000  }
0xd6: {  	[sflag:s2] =	ssyncset.done $0x0  }
0xd7: {  	s4 =	sadd.s32 $0xFFFFFFFF, s4;
	[sflag:s2] =	ssyncadd.s32 $0xFFFF8000  }
0xd8: {  	_ =	sfence.sel $0x180000  }
0xd9: {  	[bflag:$0x0] =	sbarrier.arrive $0xFFFF  }
0xda: {  	_ =	strace $0x90000047  }
0xdb: {  	s0 =	stileid.u32;
	[bflag:$0x2] =	sbarrier.arrive $0xFFFF  }
0xdc: {  	p0 =	sne.s32 s0, $0x0;
	s0 =	rddreg [dreg:$0x3]  }
0xdd: {  	s0 =	sadd.s32 @!p0 $0x100000, s0  }
0xde: {  	[sflag:s0] =	ssyncadd.tile.s32 @!p0 $0x1;
	_ =	shalt  }
.Lfunc_end2:
_tile_overlayer_lowered:
.L_overlay_start_2:
0xdf: {  	(tag) =	ssettag $0x2  }
0xe0: {  	s0 =	rddreg [dreg:$0x0];
	s2 =	stileid.u32  }
0xe1: {  	s1 =	rddreg [dreg:$0x1];
	p0 =	sne.s32 s2, $0x0  }
0xe2: {  	s3 =	rddreg [dreg:$0x2];
	[bflag:$0x3] =	sbarrier.arrive $0xFFFF;
	s2 =	simm.s32 @!p0 $0x1C05  }
0xe3: {  	[timem:s3], [sflag:s2] =	dma.local @!p0 [hbm:s0], s1  }
0xe4: {  	s0 =	simm.s32 @!p0 $0x5  }
0xe5: {  	_ =	swait.ge @!p0 [sflag:s0], s1  }
0xe6: {  	s1 =	ssub.s32 @!p0 $0x0, s1;
	[sflag:s0] =	ssyncset.done @!p0 $0x0  }
0xe7: {  	[sflag:s0] =	ssyncadd.s32 @!p0 s1  }
0xe8: {  	[bflag:$0x3] =	sbarrier.arrive $0xFFFF  }
0xe9: {  	_ =	shalt  }

</sc_bundles>
